<compile_context>
chip_gen: v7x
topology: tpu7x:2x2x1
jax: 0.10.2.dev20260603
libtpu: 0.0.44.dev20260713+nightly
codegen_flags: <defaults>
</compile_context>

<pallas_src>
import functools

import jax
import jax.numpy as jnp
from jax import lax
from jax.experimental import pallas as pl
from jax.experimental.pallas import tpu as pltpu
from jax.experimental.pallas import tpu_sc as plsc

_CP = 128


def kernel(idxs, locs, data):
    B, N, D = locs.shape
    C = data.shape[2]
    RT = B * N

    GR = 400
    assert RT % GR == 0
    NGROUPS = RT // GR

    info = plsc.get_sparse_core_info()
    NC, NS = info.num_cores, info.num_subcores
    NW = NC * NS
    ITERS = -(-NGROUPS // NW)

    idxs_flat = idxs.reshape(RT)
    table = jnp.pad(
        jnp.concatenate([data.reshape(RT, C), locs.reshape(RT, D)], axis=1),
        ((0, 0), (0, _CP - C - D)))

    mesh = plsc.VectorSubcoreMesh(core_axis_name="c", subcore_axis_name="s")

    @functools.partial(
        pl.kernel,
        mesh=mesh,
        out_type=jax.ShapeDtypeStruct((RT, _CP), jnp.float32),
        scratch_types=[
            pltpu.VMEM((GR,), jnp.int32),
            pltpu.VMEM((GR,), jnp.int32),
            pltpu.VMEM((GR, _CP), jnp.float32),
            pltpu.VMEM((GR, _CP), jnp.float32),
            pltpu.SemaphoreType.DMA,
            pltpu.SemaphoreType.DMA,
            pltpu.SemaphoreType.DMA,
            pltpu.SemaphoreType.DMA,
            pltpu.SemaphoreType.DMA,
            pltpu.SemaphoreType.DMA,
        ],
        compiler_params=pltpu.CompilerParams(use_tc_tiling_on_sc=False),
    )
    def k(idx_hbm, tab_hbm, out_hbm,
          ib0, ib1, db0, db1, si0, si1, sg0, sg1, sw0, sw1):
        wid = lax.axis_index("s") * NC + lax.axis_index("c")
        IB, DB = (ib0, ib1), (db0, db1)
        SI, SG, SW = (si0, si1), (sg0, sg1), (sw0, sw1)

        def gid(t):
            return wid + NW * t

        def stage(t, u):
            s, o = u, 1 - u

            @pl.when(jnp.logical_and(t >= 2, gid(t - 2) < NGROUPS))
            def _():
                pltpu.make_async_copy(
                    DB[s], out_hbm.at[pl.ds(gid(t - 2) * GR, GR)], SW[s]).wait()

            @pl.when(jnp.logical_and(
                jnp.logical_and(t >= 1, t <= ITERS), gid(t - 1) < NGROUPS))
            def _():
                pltpu.make_async_copy(tab_hbm.at[IB[o]], DB[o], SG[o]).wait()
                pltpu.async_copy(
                    DB[o], out_hbm.at[pl.ds(gid(t - 1) * GR, GR)], SW[o])

            @pl.when(jnp.logical_and(t + 1 <= ITERS - 1, gid(t + 1) < NGROUPS))
            def _():
                pltpu.async_copy(
                    idx_hbm.at[pl.ds(gid(t + 1) * GR, GR)], IB[o], SI[o])

            @pl.when(jnp.logical_and(t <= ITERS - 1, gid(t) < NGROUPS))
            def _():
                g_row = gid(t) * GR
                pltpu.make_async_copy(
                    idx_hbm.at[pl.ds(g_row, GR)], IB[s], SI[s]).wait()

                def conv(i, carry):
                    off = pl.multiple_of(i * 16, 16)
                    pos = g_row + off + lax.iota(jnp.int32, 16)
                    v = IB[s][pl.ds(off, 16)] + lax.div(pos, N) * N
                    pltpu.async_copy(
                        tab_hbm.at[v], DB[s].at[pl.ds(off, 16)], SG[s])
                    return carry

                lax.fori_loop(0, GR // 16, conv, 0)

        pltpu.async_copy(idx_hbm.at[pl.ds(gid(0) * GR, GR)], IB[0], SI[0])

        def body(tt, carry):
            stage(2 * tt, 0)
            stage(2 * tt + 1, 1)
            return carry

        lax.fori_loop(0, (ITERS + 3) // 2, body, 0)

    out = k(idxs_flat, table)
    nlocs = out[:, C:C + D].reshape(B, N, D)
    ndata = out[:, :C].reshape(B, N, C)
    return (nlocs, ndata)

# --- scband reference (transcript-rebuilt; emitter-appended) ---
"""Pipeline reference for scband-reorder-data-37855841747208 (READ-ONLY COPY).

The authoritative reference and input builder live on the scoring server;
editing this copy changes nothing except your own understanding.
"""

import jax, jax.numpy as jnp
import numpy as np

REVERSE = 0  # init kwarg reverse=False -> gather: ret = input[idxs]

def setup_inputs(seed: int = 0) -> dict:
    key = jax.random.key(seed)
    k1, k2, k3 = jax.random.split(key, 3)
    B, N, D, C = 8, 50000, 3, 64
    locs = jax.random.normal(k1, (B, N, D), dtype=jnp.float32)
    data = jax.random.normal(k2, (B, N, C), dtype=jnp.float32)
    idxs = jax.random.randint(k3, (B, N), 0, N, dtype=jnp.int32)
    return {"idxs": idxs, "locs": locs, "data": data}

def reference(idxs, locs, data):
    # Faithful translation of ReorderData.forward (reverse=False):
    #   nlocs = locs[idxs] per batch; ndata = data[idxs] per batch.
    B = locs.shape[0]
    if REVERSE:
        b_idx = jnp.arange(B)[:, None]
        nlocs = jnp.zeros_like(locs).at[b_idx, idxs].set(locs)
        ndata = jnp.zeros_like(data).at[b_idx, idxs].set(data)
    else:
        nlocs = jnp.take_along_axis(locs, idxs[:, :, None], axis=1)
        ndata = jnp.take_along_axis(data, idxs[:, :, None], axis=1)
    return (nlocs, ndata)

if __name__ == "__main__":
    import jax
    _d = setup_inputs()
    print(jax.jit(kernel)(*tuple(_d.values())))

</pallas_src>

<mosaic_0001>
#map = affine_map<(d0, d1) -> (0)>
#map1 = affine_map<(d0, d1) -> (0, 0)>
module attributes {stable_mosaic.version = 14 : i64} {
  func.func @k(%arg0: i32, %arg1: i32, %arg2: memref<400000xi32, #tpu.memory_space<hbm>>, %arg3: memref<400000x128xf32, #tpu.memory_space<hbm>>, %arg4: memref<400000x128xf32, #tpu.memory_space<hbm>>, %arg5: memref<400xi32, #tpu.memory_space<vmem>>, %arg6: memref<400xi32, #tpu.memory_space<vmem>>, %arg7: memref<400x128xf32, #tpu.memory_space<vmem>>, %arg8: memref<400x128xf32, #tpu.memory_space<vmem>>, %arg9: memref<!tpu.dma_semaphore, #tpu.memory_space<semaphore_mem>>, %arg10: memref<!tpu.dma_semaphore, #tpu.memory_space<semaphore_mem>>, %arg11: memref<!tpu.dma_semaphore, #tpu.memory_space<semaphore_mem>>, %arg12: memref<!tpu.dma_semaphore, #tpu.memory_space<semaphore_mem>>, %arg13: memref<!tpu.dma_semaphore, #tpu.memory_space<semaphore_mem>>, %arg14: memref<!tpu.dma_semaphore, #tpu.memory_space<semaphore_mem>>) attributes {dimension_semantics = [#tpu.dimension_semantics<core_parallel>, #tpu.dimension_semantics<subcore_parallel>], iteration_bounds = array<i64: 2, 16>, scalar_prefetch = 0 : i64, scratch_operands = 10 : i64, tpu.core_type = #tpu.core_type<sc_vector_subcore>, window_params = [{transform_indices = #map}, {transform_indices = #map1}, {transform_indices = #map1}]} {
    %mul3A = arith.constant 2 : i32
    %mul3A_0 = arith.muli %arg1, %mul3A : i32
    %add3A = arith.addi %mul3A_0, %arg0 : i32
    %add3A_1 = arith.constant 0 : i32
    %add3A_2 = arith.addi %add3A, %add3A_1 : i32
    %mul3A_3 = arith.constant 400 : i32
    %mul3A_4 = arith.muli %add3A_2, %mul3A_3 : i32
    %dma_start3A = tpu.memref_slice %arg2[%mul3A_4] : memref<400000xi32, #tpu.memory_space<hbm>> -> memref<400xi32, #tpu.memory_space<hbm>>
    %dma_start3A_5 = tpu.memref_slice %arg2[%mul3A_4] : memref<400000xi32, #tpu.memory_space<hbm>> -> memref<400xi32, #tpu.memory_space<hbm>>
    tpu.enqueue_dma source(%dma_start3A_5 : memref<400xi32, #tpu.memory_space<hbm>>) target(%arg5 : memref<400xi32, #tpu.memory_space<vmem>>) target_semaphore(%arg9 : memref<!tpu.dma_semaphore, #tpu.memory_space<semaphore_mem>>)
    %scan3A = arith.constant 0 : i32
    %scan3A_6 = arith.constant 0 : i32
    %scan3A_7 = arith.constant 17 : i32
    %scan3A_8 = arith.addi %scan3A_6, %scan3A_7 : i32
    %scan3A_9 = arith.constant 1 : i32
    scf.for %scan3A_11 = %scan3A_6 to %scan3A_8 step %scan3A_9  : i32 {
      %mul3A_12 = arith.constant 2 : i32
      %mul3A_13 = arith.muli %mul3A_12, %scan3A_11 : i32
      %ge3A = arith.constant 2 : i32
      %ge3A_14 = arith.cmpi sge, %mul3A_13, %ge3A : i32
      %sub3A = arith.constant 2 : i32
      %sub3A_15 = arith.subi %mul3A_13, %sub3A : i32
      %mul3A_16 = arith.constant 32 : i32
      %mul3A_17 = arith.muli %mul3A_16, %sub3A_15 : i32
      %add3A_18 = arith.addi %add3A, %mul3A_17 : i32
      %lt3A = arith.constant 1000 : i32
      %lt3A_19 = arith.cmpi slt, %add3A_18, %lt3A : i32
      %and3A = arith.andi %ge3A_14, %lt3A_19 : i1
      %convert_element_type3A = arith.extui %and3A : i1 to i32
      %cond3A = arith.constant 0 : i32
      %cond3A_20 = arith.cmpi ne, %convert_element_type3A, %cond3A : i32
      scf.if %cond3A_20 {
        %sub3A_121 = arith.constant 2 : i32
        %sub3A_122 = arith.subi %mul3A_13, %sub3A_121 : i32
        %mul3A_123 = arith.constant 32 : i32
        %mul3A_124 = arith.muli %mul3A_123, %sub3A_122 : i32
        %add3A_125 = arith.addi %add3A, %mul3A_124 : i32
        %mul3A_126 = arith.constant 400 : i32
        %mul3A_127 = arith.muli %add3A_125, %mul3A_126 : i32
        %dma_wait3A = arith.constant 0 : i32
        %dma_wait3A_128 = tpu.memref_slice %arg4[%mul3A_127, %dma_wait3A] : memref<400000x128xf32, #tpu.memory_space<hbm>> -> memref<400x128xf32, #tpu.memory_space<hbm>>
        %dma_wait3A_129 = arith.constant 0 : i32
        %dma_wait3A_130 = tpu.memref_slice %arg4[%mul3A_127, %dma_wait3A_129] : memref<400000x128xf32, #tpu.memory_space<hbm>> -> memref<400x128xf32, #tpu.memory_space<hbm>>
        tpu.wait_dma2 semaphore(%arg13 : memref<!tpu.dma_semaphore, #tpu.memory_space<semaphore_mem>>) src(%arg7 : memref<400x128xf32, #tpu.memory_space<vmem>>) dst(%dma_wait3A_130 : memref<400x128xf32, #tpu.memory_space<hbm>>)
      } else {
      }
      %ge3A_21 = arith.constant 1 : i32
      %ge3A_22 = arith.cmpi sge, %mul3A_13, %ge3A_21 : i32
      %le3A = arith.constant 32 : i32
      %le3A_23 = arith.cmpi sle, %mul3A_13, %le3A : i32
      %and3A_24 = arith.andi %ge3A_22, %le3A_23 : i1
      %sub3A_25 = arith.constant 1 : i32
      %sub3A_26 = arith.subi %mul3A_13, %sub3A_25 : i32
      %mul3A_27 = arith.constant 32 : i32
      %mul3A_28 = arith.muli %mul3A_27, %sub3A_26 : i32
      %add3A_29 = arith.addi %add3A, %mul3A_28 : i32
      %lt3A_30 = arith.constant 1000 : i32
      %lt3A_31 = arith.cmpi slt, %add3A_29, %lt3A_30 : i32
      %and3A_32 = arith.andi %and3A_24, %lt3A_31 : i1
      %convert_element_type3A_33 = arith.extui %and3A_32 : i1 to i32
      %cond3A_34 = arith.constant 0 : i32
      %cond3A_35 = arith.cmpi ne, %convert_element_type3A_33, %cond3A_34 : i32
      scf.if %cond3A_35 {
        %dma_wait3A = arith.constant 0 : i32
        %dma_wait3A_121 = arith.constant 0 : i32
        %dma_wait3A_122 = tpu.memref_slice %arg3[%dma_wait3A, %dma_wait3A_121] : memref<400000x128xf32, #tpu.memory_space<hbm>> -> memref<400000x128xf32, #tpu.memory_space<hbm>>
        tpu.wait_indirect_dma semaphore(%arg12 : memref<!tpu.dma_semaphore, #tpu.memory_space<semaphore_mem>>) src(%dma_wait3A_122 : memref<400000x128xf32, #tpu.memory_space<hbm>>) dst(%arg8 : memref<400x128xf32, #tpu.memory_space<vmem>>)
        %sub3A_123 = arith.constant 1 : i32
        %sub3A_124 = arith.subi %mul3A_13, %sub3A_123 : i32
        %mul3A_125 = arith.constant 32 : i32
        %mul3A_126 = arith.muli %mul3A_125, %sub3A_124 : i32
        %add3A_127 = arith.addi %add3A, %mul3A_126 : i32
        %mul3A_128 = arith.constant 400 : i32
        %mul3A_129 = arith.muli %add3A_127, %mul3A_128 : i32
        %dma_start3A_130 = arith.constant 0 : i32
        %dma_start3A_131 = tpu.memref_slice %arg4[%mul3A_129, %dma_start3A_130] : memref<400000x128xf32, #tpu.memory_space<hbm>> -> memref<400x128xf32, #tpu.memory_space<hbm>>
        %dma_start3A_132 = arith.constant 0 : i32
        %dma_start3A_133 = tpu.memref_slice %arg4[%mul3A_129, %dma_start3A_132] : memref<400000x128xf32, #tpu.memory_space<hbm>> -> memref<400x128xf32, #tpu.memory_space<hbm>>
        tpu.enqueue_dma source(%arg8 : memref<400x128xf32, #tpu.memory_space<vmem>>) target(%dma_start3A_133 : memref<400x128xf32, #tpu.memory_space<hbm>>) target_semaphore(%arg14 : memref<!tpu.dma_semaphore, #tpu.memory_space<semaphore_mem>>)
      } else {
      }
      %add3A_36 = arith.constant 1 : i32
      %add3A_37 = arith.addi %mul3A_13, %add3A_36 : i32
      %le3A_38 = arith.constant 31 : i32
      %le3A_39 = arith.cmpi sle, %add3A_37, %le3A_38 : i32
      %add3A_40 = arith.constant 1 : i32
      %add3A_41 = arith.addi %mul3A_13, %add3A_40 : i32
      %mul3A_42 = arith.constant 32 : i32
      %mul3A_43 = arith.muli %mul3A_42, %add3A_41 : i32
      %add3A_44 = arith.addi %add3A, %mul3A_43 : i32
      %lt3A_45 = arith.constant 1000 : i32
      %lt3A_46 = arith.cmpi slt, %add3A_44, %lt3A_45 : i32
      %and3A_47 = arith.andi %le3A_39, %lt3A_46 : i1
      %convert_element_type3A_48 = arith.extui %and3A_47 : i1 to i32
      %cond3A_49 = arith.constant 0 : i32
      %cond3A_50 = arith.cmpi ne, %convert_element_type3A_48, %cond3A_49 : i32
      scf.if %cond3A_50 {
        %add3A_121 = arith.constant 1 : i32
        %add3A_122 = arith.addi %mul3A_13, %add3A_121 : i32
        %mul3A_123 = arith.constant 32 : i32
        %mul3A_124 = arith.muli %mul3A_123, %add3A_122 : i32
        %add3A_125 = arith.addi %add3A, %mul3A_124 : i32
        %mul3A_126 = arith.constant 400 : i32
        %mul3A_127 = arith.muli %add3A_125, %mul3A_126 : i32
        %dma_start3A_128 = tpu.memref_slice %arg2[%mul3A_127] : memref<400000xi32, #tpu.memory_space<hbm>> -> memref<400xi32, #tpu.memory_space<hbm>>
        %dma_start3A_129 = tpu.memref_slice %arg2[%mul3A_127] : memref<400000xi32, #tpu.memory_space<hbm>> -> memref<400xi32, #tpu.memory_space<hbm>>
        tpu.enqueue_dma source(%dma_start3A_129 : memref<400xi32, #tpu.memory_space<hbm>>) target(%arg6 : memref<400xi32, #tpu.memory_space<vmem>>) target_semaphore(%arg10 : memref<!tpu.dma_semaphore, #tpu.memory_space<semaphore_mem>>)
      } else {
      }
      %le3A_51 = arith.constant 31 : i32
      %le3A_52 = arith.cmpi sle, %mul3A_13, %le3A_51 : i32
      %mul3A_53 = arith.constant 32 : i32
      %mul3A_54 = arith.muli %mul3A_53, %mul3A_13 : i32
      %add3A_55 = arith.addi %add3A, %mul3A_54 : i32
      %lt3A_56 = arith.constant 1000 : i32
      %lt3A_57 = arith.cmpi slt, %add3A_55, %lt3A_56 : i32
      %and3A_58 = arith.andi %le3A_52, %lt3A_57 : i1
      %convert_element_type3A_59 = arith.extui %and3A_58 : i1 to i32
      %cond3A_60 = arith.constant 0 : i32
      %cond3A_61 = arith.cmpi ne, %convert_element_type3A_59, %cond3A_60 : i32
      scf.if %cond3A_61 {
        %mul3A_121 = arith.constant 32 : i32
        %mul3A_122 = arith.muli %mul3A_121, %mul3A_13 : i32
        %add3A_123 = arith.addi %add3A, %mul3A_122 : i32
        %mul3A_124 = arith.constant 400 : i32
        %mul3A_125 = arith.muli %add3A_123, %mul3A_124 : i32
        %dma_wait3A = tpu.memref_slice %arg2[%mul3A_125] : memref<400000xi32, #tpu.memory_space<hbm>> -> memref<400xi32, #tpu.memory_space<hbm>>
        %dma_wait3A_126 = tpu.memref_slice %arg2[%mul3A_125] : memref<400000xi32, #tpu.memory_space<hbm>> -> memref<400xi32, #tpu.memory_space<hbm>>
        tpu.wait_dma2 semaphore(%arg9 : memref<!tpu.dma_semaphore, #tpu.memory_space<semaphore_mem>>) src(%dma_wait3A_126 : memref<400xi32, #tpu.memory_space<hbm>>) dst(%arg5 : memref<400xi32, #tpu.memory_space<vmem>>)
        %scan3A_127 = arith.constant 0 : i32
        %scan3A_128 = arith.constant 0 : i32
        %scan3A_129 = arith.constant 25 : i32
        %scan3A_130 = arith.addi %scan3A_128, %scan3A_129 : i32
        %scan3A_131 = arith.constant 1 : i32
        scf.for %scan3A_133 = %scan3A_128 to %scan3A_130 step %scan3A_131  : i32 {
          %mul3A_134 = arith.constant 16 : i32
          %mul3A_135 = arith.muli %scan3A_133, %mul3A_134 : i32
          %multiple_of3A = tpu.assume_multiple %mul3A_135, 16 : i32
          %add3A_136 = arith.addi %mul3A_125, %multiple_of3A : i32
          %iota3A = tpu.iota {dimensions = array<i32: 0>} : vector<16xi32>
          %add3A_137 = vector.broadcast %add3A_136 : i32 to vector<16xi32>
          %add3A_138 = arith.addi %add3A_137, %iota3A : vector<16xi32>
          %get3A = arith.index_cast %multiple_of3A : i32 to index
          %get3A_139 = tpu.vector_load %arg5[%get3A] {strides = array<i32>} : memref<400xi32, #tpu.memory_space<vmem>>, vector<16xi32>,
          %get3A_140 = vector.shape_cast %get3A_139 : vector<16xi32> to vector<16xi32>
          %div3A = arith.constant 50000 : i32
          %div3A_141 = vector.broadcast %div3A : i32 to vector<16xi32>
          %div3A_142 = arith.divsi %add3A_138, %div3A_141 : vector<16xi32>
          %mul3A_143 = arith.constant 50000 : i32
          %mul3A_144 = vector.broadcast %mul3A_143 : i32 to vector<16xi32>
          %mul3A_145 = arith.muli %div3A_142, %mul3A_144 : vector<16xi32>
          %add3A_146 = arith.addi %get3A_140, %mul3A_145 : vector<16xi32>
          %dma_start3A_147 = arith.constant 0 : i32
          %dma_start3A_148 = tpu.memref_slice %arg7[%multiple_of3A, %dma_start3A_147] : memref<400x128xf32, #tpu.memory_space<vmem>> -> memref<16x128xf32, #tpu.memory_space<vmem>>
          %dma_start3A_149 = arith.constant 0 : i32
          %dma_start3A_150 = arith.constant 0 : i32
          %dma_start3A_151 = tpu.memref_slice %arg3[%dma_start3A_149, %dma_start3A_150] : memref<400000x128xf32, #tpu.memory_space<hbm>> -> memref<400000x128xf32, #tpu.memory_space<hbm>>
          tpu.enqueue_indirect_dma source(%dma_start3A_151 : memref<400000x128xf32, #tpu.memory_space<hbm>>) target(%dma_start3A_148 : memref<16x128xf32, #tpu.memory_space<vmem>>) offsets(%add3A_146 : vector<16xi32>) semaphore(%arg11 : memref<!tpu.dma_semaphore, #tpu.memory_space<semaphore_mem>>)
        }
        %scan3A_132 = arith.constant 25 : i32
      } else {
      }
      %mul3A_62 = arith.constant 2 : i32
      %mul3A_63 = arith.muli %mul3A_62, %scan3A_11 : i32
      %add3A_64 = arith.constant 1 : i32
      %add3A_65 = arith.addi %mul3A_63, %add3A_64 : i32
      %ge3A_66 = arith.constant 2 : i32
      %ge3A_67 = arith.cmpi sge, %add3A_65, %ge3A_66 : i32
      %sub3A_68 = arith.constant 2 : i32
      %sub3A_69 = arith.subi %add3A_65, %sub3A_68 : i32
      %mul3A_70 = arith.constant 32 : i32
      %mul3A_71 = arith.muli %mul3A_70, %sub3A_69 : i32
      %add3A_72 = arith.addi %add3A, %mul3A_71 : i32
      %lt3A_73 = arith.constant 1000 : i32
      %lt3A_74 = arith.cmpi slt, %add3A_72, %lt3A_73 : i32
      %and3A_75 = arith.andi %ge3A_67, %lt3A_74 : i1
      %convert_element_type3A_76 = arith.extui %and3A_75 : i1 to i32
      %cond3A_77 = arith.constant 0 : i32
      %cond3A_78 = arith.cmpi ne, %convert_element_type3A_76, %cond3A_77 : i32
      scf.if %cond3A_78 {
        %sub3A_121 = arith.constant 2 : i32
        %sub3A_122 = arith.subi %add3A_65, %sub3A_121 : i32
        %mul3A_123 = arith.constant 32 : i32
        %mul3A_124 = arith.muli %mul3A_123, %sub3A_122 : i32
        %add3A_125 = arith.addi %add3A, %mul3A_124 : i32
        %mul3A_126 = arith.constant 400 : i32
        %mul3A_127 = arith.muli %add3A_125, %mul3A_126 : i32
        %dma_wait3A = arith.constant 0 : i32
        %dma_wait3A_128 = tpu.memref_slice %arg4[%mul3A_127, %dma_wait3A] : memref<400000x128xf32, #tpu.memory_space<hbm>> -> memref<400x128xf32, #tpu.memory_space<hbm>>
        %dma_wait3A_129 = arith.constant 0 : i32
        %dma_wait3A_130 = tpu.memref_slice %arg4[%mul3A_127, %dma_wait3A_129] : memref<400000x128xf32, #tpu.memory_space<hbm>> -> memref<400x128xf32, #tpu.memory_space<hbm>>
        tpu.wait_dma2 semaphore(%arg14 : memref<!tpu.dma_semaphore, #tpu.memory_space<semaphore_mem>>) src(%arg8 : memref<400x128xf32, #tpu.memory_space<vmem>>) dst(%dma_wait3A_130 : memref<400x128xf32, #tpu.memory_space<hbm>>)
      } else {
      }
      %ge3A_79 = arith.constant 1 : i32
      %ge3A_80 = arith.cmpi sge, %add3A_65, %ge3A_79 : i32
      %le3A_81 = arith.constant 32 : i32
      %le3A_82 = arith.cmpi sle, %add3A_65, %le3A_81 : i32
      %and3A_83 = arith.andi %ge3A_80, %le3A_82 : i1
      %sub3A_84 = arith.constant 1 : i32
      %sub3A_85 = arith.subi %add3A_65, %sub3A_84 : i32
      %mul3A_86 = arith.constant 32 : i32
      %mul3A_87 = arith.muli %mul3A_86, %sub3A_85 : i32
      %add3A_88 = arith.addi %add3A, %mul3A_87 : i32
      %lt3A_89 = arith.constant 1000 : i32
      %lt3A_90 = arith.cmpi slt, %add3A_88, %lt3A_89 : i32
      %and3A_91 = arith.andi %and3A_83, %lt3A_90 : i1
      %convert_element_type3A_92 = arith.extui %and3A_91 : i1 to i32
      %cond3A_93 = arith.constant 0 : i32
      %cond3A_94 = arith.cmpi ne, %convert_element_type3A_92, %cond3A_93 : i32
      scf.if %cond3A_94 {
        %dma_wait3A = arith.constant 0 : i32
        %dma_wait3A_121 = arith.constant 0 : i32
        %dma_wait3A_122 = tpu.memref_slice %arg3[%dma_wait3A, %dma_wait3A_121] : memref<400000x128xf32, #tpu.memory_space<hbm>> -> memref<400000x128xf32, #tpu.memory_space<hbm>>
        tpu.wait_indirect_dma semaphore(%arg11 : memref<!tpu.dma_semaphore, #tpu.memory_space<semaphore_mem>>) src(%dma_wait3A_122 : memref<400000x128xf32, #tpu.memory_space<hbm>>) dst(%arg7 : memref<400x128xf32, #tpu.memory_space<vmem>>)
        %sub3A_123 = arith.constant 1 : i32
        %sub3A_124 = arith.subi %add3A_65, %sub3A_123 : i32
        %mul3A_125 = arith.constant 32 : i32
        %mul3A_126 = arith.muli %mul3A_125, %sub3A_124 : i32
        %add3A_127 = arith.addi %add3A, %mul3A_126 : i32
        %mul3A_128 = arith.constant 400 : i32
        %mul3A_129 = arith.muli %add3A_127, %mul3A_128 : i32
        %dma_start3A_130 = arith.constant 0 : i32
        %dma_start3A_131 = tpu.memref_slice %arg4[%mul3A_129, %dma_start3A_130] : memref<400000x128xf32, #tpu.memory_space<hbm>> -> memref<400x128xf32, #tpu.memory_space<hbm>>
        %dma_start3A_132 = arith.constant 0 : i32
        %dma_start3A_133 = tpu.memref_slice %arg4[%mul3A_129, %dma_start3A_132] : memref<400000x128xf32, #tpu.memory_space<hbm>> -> memref<400x128xf32, #tpu.memory_space<hbm>>
        tpu.enqueue_dma source(%arg7 : memref<400x128xf32, #tpu.memory_space<vmem>>) target(%dma_start3A_133 : memref<400x128xf32, #tpu.memory_space<hbm>>) target_semaphore(%arg13 : memref<!tpu.dma_semaphore, #tpu.memory_space<semaphore_mem>>)
      } else {
      }
      %add3A_95 = arith.constant 1 : i32
      %add3A_96 = arith.addi %add3A_65, %add3A_95 : i32
      %le3A_97 = arith.constant 31 : i32
      %le3A_98 = arith.cmpi sle, %add3A_96, %le3A_97 : i32
      %add3A_99 = arith.constant 1 : i32
      %add3A_100 = arith.addi %add3A_65, %add3A_99 : i32
      %mul3A_101 = arith.constant 32 : i32
      %mul3A_102 = arith.muli %mul3A_101, %add3A_100 : i32
      %add3A_103 = arith.addi %add3A, %mul3A_102 : i32
      %lt3A_104 = arith.constant 1000 : i32
      %lt3A_105 = arith.cmpi slt, %add3A_103, %lt3A_104 : i32
      %and3A_106 = arith.andi %le3A_98, %lt3A_105 : i1
      %convert_element_type3A_107 = arith.extui %and3A_106 : i1 to i32
      %cond3A_108 = arith.constant 0 : i32
      %cond3A_109 = arith.cmpi ne, %convert_element_type3A_107, %cond3A_108 : i32
      scf.if %cond3A_109 {
        %add3A_121 = arith.constant 1 : i32
        %add3A_122 = arith.addi %add3A_65, %add3A_121 : i32
        %mul3A_123 = arith.constant 32 : i32
        %mul3A_124 = arith.muli %mul3A_123, %add3A_122 : i32
        %add3A_125 = arith.addi %add3A, %mul3A_124 : i32
        %mul3A_126 = arith.constant 400 : i32
        %mul3A_127 = arith.muli %add3A_125, %mul3A_126 : i32
        %dma_start3A_128 = tpu.memref_slice %arg2[%mul3A_127] : memref<400000xi32, #tpu.memory_space<hbm>> -> memref<400xi32, #tpu.memory_space<hbm>>
        %dma_start3A_129 = tpu.memref_slice %arg2[%mul3A_127] : memref<400000xi32, #tpu.memory_space<hbm>> -> memref<400xi32, #tpu.memory_space<hbm>>
        tpu.enqueue_dma source(%dma_start3A_129 : memref<400xi32, #tpu.memory_space<hbm>>) target(%arg5 : memref<400xi32, #tpu.memory_space<vmem>>) target_semaphore(%arg9 : memref<!tpu.dma_semaphore, #tpu.memory_space<semaphore_mem>>)
      } else {
      }
      %le3A_110 = arith.constant 31 : i32
      %le3A_111 = arith.cmpi sle, %add3A_65, %le3A_110 : i32
      %mul3A_112 = arith.constant 32 : i32
      %mul3A_113 = arith.muli %mul3A_112, %add3A_65 : i32
      %add3A_114 = arith.addi %add3A, %mul3A_113 : i32
      %lt3A_115 = arith.constant 1000 : i32
      %lt3A_116 = arith.cmpi slt, %add3A_114, %lt3A_115 : i32
      %and3A_117 = arith.andi %le3A_111, %lt3A_116 : i1
      %convert_element_type3A_118 = arith.extui %and3A_117 : i1 to i32
      %cond3A_119 = arith.constant 0 : i32
      %cond3A_120 = arith.cmpi ne, %convert_element_type3A_118, %cond3A_119 : i32
      scf.if %cond3A_120 {
        %mul3A_121 = arith.constant 32 : i32
        %mul3A_122 = arith.muli %mul3A_121, %add3A_65 : i32
        %add3A_123 = arith.addi %add3A, %mul3A_122 : i32
        %mul3A_124 = arith.constant 400 : i32
        %mul3A_125 = arith.muli %add3A_123, %mul3A_124 : i32
        %dma_wait3A = tpu.memref_slice %arg2[%mul3A_125] : memref<400000xi32, #tpu.memory_space<hbm>> -> memref<400xi32, #tpu.memory_space<hbm>>
        %dma_wait3A_126 = tpu.memref_slice %arg2[%mul3A_125] : memref<400000xi32, #tpu.memory_space<hbm>> -> memref<400xi32, #tpu.memory_space<hbm>>
        tpu.wait_dma2 semaphore(%arg10 : memref<!tpu.dma_semaphore, #tpu.memory_space<semaphore_mem>>) src(%dma_wait3A_126 : memref<400xi32, #tpu.memory_space<hbm>>) dst(%arg6 : memref<400xi32, #tpu.memory_space<vmem>>)
        %scan3A_127 = arith.constant 0 : i32
        %scan3A_128 = arith.constant 0 : i32
        %scan3A_129 = arith.constant 25 : i32
        %scan3A_130 = arith.addi %scan3A_128, %scan3A_129 : i32
        %scan3A_131 = arith.constant 1 : i32
        scf.for %scan3A_133 = %scan3A_128 to %scan3A_130 step %scan3A_131  : i32 {
          %mul3A_134 = arith.constant 16 : i32
          %mul3A_135 = arith.muli %scan3A_133, %mul3A_134 : i32
          %multiple_of3A = tpu.assume_multiple %mul3A_135, 16 : i32
          %add3A_136 = arith.addi %mul3A_125, %multiple_of3A : i32
          %iota3A = tpu.iota {dimensions = array<i32: 0>} : vector<16xi32>
          %add3A_137 = vector.broadcast %add3A_136 : i32 to vector<16xi32>
          %add3A_138 = arith.addi %add3A_137, %iota3A : vector<16xi32>
          %get3A = arith.index_cast %multiple_of3A : i32 to index
          %get3A_139 = tpu.vector_load %arg6[%get3A] {strides = array<i32>} : memref<400xi32, #tpu.memory_space<vmem>>, vector<16xi32>,
          %get3A_140 = vector.shape_cast %get3A_139 : vector<16xi32> to vector<16xi32>
          %div3A = arith.constant 50000 : i32
          %div3A_141 = vector.broadcast %div3A : i32 to vector<16xi32>
          %div3A_142 = arith.divsi %add3A_138, %div3A_141 : vector<16xi32>
          %mul3A_143 = arith.constant 50000 : i32
          %mul3A_144 = vector.broadcast %mul3A_143 : i32 to vector<16xi32>
          %mul3A_145 = arith.muli %div3A_142, %mul3A_144 : vector<16xi32>
          %add3A_146 = arith.addi %get3A_140, %mul3A_145 : vector<16xi32>
          %dma_start3A_147 = arith.constant 0 : i32
          %dma_start3A_148 = tpu.memref_slice %arg8[%multiple_of3A, %dma_start3A_147] : memref<400x128xf32, #tpu.memory_space<vmem>> -> memref<16x128xf32, #tpu.memory_space<vmem>>
          %dma_start3A_149 = arith.constant 0 : i32
          %dma_start3A_150 = arith.constant 0 : i32
          %dma_start3A_151 = tpu.memref_slice %arg3[%dma_start3A_149, %dma_start3A_150] : memref<400000x128xf32, #tpu.memory_space<hbm>> -> memref<400000x128xf32, #tpu.memory_space<hbm>>
          tpu.enqueue_indirect_dma source(%dma_start3A_151 : memref<400000x128xf32, #tpu.memory_space<hbm>>) target(%dma_start3A_148 : memref<16x128xf32, #tpu.memory_space<vmem>>) offsets(%add3A_146 : vector<16xi32>) semaphore(%arg12 : memref<!tpu.dma_semaphore, #tpu.memory_space<semaphore_mem>>)
        }
        %scan3A_132 = arith.constant 25 : i32
      } else {
      }
    }
    %scan3A_10 = arith.constant 17 : i32
    return
  }
}

</mosaic_0001>

<sc_bundles>
// kernel: kernel.3.cloned.1.call-start
scs
__scs_entry_jumppad:
0x0: {  	(pc) =	sbr.rel $0x88, $3  }
0x1: {  	(tag) =	ssettag $0x0;
	lr =	simm.s32 $0x1  }
0x2: {  	[smem:$0x3F9E] =	sst lr;
	_ =	strace $0xD0000000  }
0x3: {  	_ = 	snop  }
0x4: {  	_ = 	snop  }
0x5: {  	_ = 	snop  }
0x6: {  	_ = 	snop  }
0x7: {  	_ = 	snop  }
__scs_overlays_trampoline_lowered:
0x8: {  	[smem:$0x3FAD] =	sst s0  }
0x9: {  	[smem:$0x3FAE] =	sst s1  }
0xa: {  	[smem:$0x3FAF] =	sst s2  }
0xb: {  	[smem:$0x3FB0] =	sst s3  }
0xc: {  	[smem:$0x3FB1] =	sst s4  }
0xd: {  	[smem:$0x3FB2] =	sst s5  }
0xe: {  	[smem:$0x3FB3] =	sst s6  }
0xf: {  	[smem:$0x3FB4] =	sst s7  }
0x10: {  	[smem:$0x3FB5] =	sst s8  }
0x11: {  	[smem:$0x3FB6] =	sst s9;
	s0 =	simm.s32 @!p0 $0x0  }
0x12: {  	s1 =	sld [smem:$0x3F9C];
	s0 =	simm.s32 @p0 $0x1  }
0x13: {  	[smem:$0x3FB7] =	sst s0;
	s0 =	simm.s32 @!p1 $0x0  }
0x14: {  	s2 =	sld [smem:$0x3F9B];
	s0 =	simm.s32 @p1 $0x1  }
0x15: {  	[smem:$0x3FB8] =	sst s0;
	s0 =	simm.s32 @!p2 $0x0  }
0x16: {  	s3 =	sld [smem:$0x3FDB];
	s0 =	simm.s32 @p2 $0x1  }
0x17: {  	s4 =	simm.s32 $0x1BF5;
	[smem:$0x3FBA] =	sst s0  }
0x18: {  	s0 =	sld [smem:$0x3F9D];
	_ =	swait.ge [sflag:s4], $0x0  }
0x19: {  	s7 =	sld [smem:$0x3F9E]  }
0x1a: {  	s8 =	sadd.s32 $0xFFFFE003, lr  }
0x1b: {  	s9 =	sadd.s32 $0xFFFFFEF7, lr;
	s5 =	simm.s32 $0xFFFFFFFF;
	p2 =	slt.u32 s8, $0xFFFFF086  }
0x1c: {  	p1 =	slt.u32 s9, $0xF7A;
	s5 =	simm.s32 @!p2 $0x0  }
0x1d: {  	s5 =	simm.s32 @p1 $0x1;
	p0 =	seq.s32 s7, s2  }
0x1e: {  	s7 =	smul.u32 @!p0 $0xF7A, s2;
	p2 =	seq.s32 @!p0 s5, $0x0  }
0x1f: {  	s9 =	smul.u32 $0xF7A, s1;
	s8 =	simm.s32 @!p0 $0x1BF5;
	p2 =	por !p2, p0  }
0x20: {  	[sflag:s8] =	ssyncset.s32 @!p0 $0xFFFFF086;
	s6 =	sadd.s32 @!p0 s3, s7;
	s7 =	simm.s32 @!p0 $0x108  }
0x21: {  	s3 =	sadd.s32 s3, s9;
	s6 =	sadd.s32 @!p0 $0x88, s6;
	s7 =	simm.s32 @p2 $0x1082  }
0x22: {  	[simem:s7], [sflag:s8] =	dma.local @!p0 [hbm:s6], $0xF7A  }
0x23: {  	s9 =	sor.u32 $0xD0000000, s2;
	s6 =	simm.s32 $0x108;
	_ =	swait.ge @!p0 [sflag:s8], $0x0  }
0x24: {  	s3 =	sadd.s32 $0x88, s3;
	s6 =	simm.s32 @!p1 $0x1082;
	[sflag:s4] =	ssyncset.s32 $0xFFFFF086  }
0x25: {  	[simem:s6], [sflag:s4] =	dma.local [hbm:s3], $0xF7A  }
0x26: {  	[smem:$0x3F9E] =	sst s1;
	(tag) =	ssettag s2;
	_ =	strace s9  }
0x27: {  	s1 =	sld [smem:$0x3FAE]  }
0x28: {  	s2 =	sld [smem:$0x3FAF]  }
0x29: {  	s4 =	sld [smem:$0x3FB1]  }
0x2a: {  	p0 =	seq.s32 s5, $0x0;
	s5 =	sld [smem:$0x3FB2]  }
0x2b: {  	s6 =	sld [smem:$0x3FB3]  }
0x2c: {  	s7 =	sld [smem:$0x3FB4]  }
0x2d: {  	s3 =	simm.s32 $0x108;
	s8 =	sld [smem:$0x3FB5]  }
0x2e: {  	s3 =	simm.s32 @!p0 $0x1082;
	s9 =	sld [smem:$0x3FB6]  }
0x2f: {  	lr =	sadd.s32 s0, s3;
	s0 =	sld [smem:$0x3FAD]  }
0x30: {  	s3 =	sld [smem:$0x3FB0]  }
0x31: {  	[smem:$0x3FB9] =	sst s10  }
0x32: {  	s10 =	sld [smem:$0x3FB7];
	_ =	sdelay $0x3  }
0x33: {  	p0 =	seq.s32 s10, $0x1;
	s10 =	sld [smem:$0x3FB9];
	_ =	sdelay $0x3  }
0x34: {  	[smem:$0x3FB9] =	sst s10  }
0x35: {  	s10 =	sld [smem:$0x3FB8];
	_ =	sdelay $0x3  }
0x36: {  	p1 =	seq.s32 s10, $0x1;
	s10 =	sld [smem:$0x3FB9];
	_ =	sdelay $0x3  }
0x37: {  	[smem:$0x3FB9] =	sst s10  }
0x38: {  	s10 =	sld [smem:$0x3FBA]  }
0x39: {  	_ = 	snop;
	(pc) =	sbr.ind lr, $3  }
0x3a: {  	_ = 	snop  }
0x3b: {  	_ = 	snop  }
0x3c: {  	p2 =	seq.s32 s10, $0x1;
	s10 =	sld [smem:$0x3FB9]  }
0x3d: {  	_ =	shalt  }
0x3e: {  	_ =	shalt  }
0x3f: {  	_ =	shalt  }
0x40: {  	_ =	shalt  }
0x41: {  	_ =	shalt  }
0x42: {  	_ =	shalt  }
0x43: {  	_ =	shalt  }
0x44: {  	_ =	shalt  }
0x45: {  	_ =	shalt  }
0x46: {  	_ =	shalt  }
0x47: {  	_ =	shalt  }
0x48: {  	_ =	shalt  }
0x49: {  	_ =	shalt  }
0x4a: {  	_ =	shalt  }
0x4b: {  	_ =	shalt  }
0x4c: {  	_ =	shalt  }
0x4d: {  	_ =	shalt  }
0x4e: {  	_ =	shalt  }
0x4f: {  	_ =	shalt  }
0x50: {  	_ =	shalt  }
0x51: {  	_ =	shalt  }
0x52: {  	_ =	shalt  }
0x53: {  	_ =	shalt  }
0x54: {  	_ =	shalt  }
0x55: {  	_ =	shalt  }
0x56: {  	_ =	shalt  }
0x57: {  	_ =	shalt  }
0x58: {  	_ =	shalt  }
0x59: {  	_ =	shalt  }
0x5a: {  	_ =	shalt  }
0x5b: {  	_ =	shalt  }
0x5c: {  	_ =	shalt  }
0x5d: {  	_ =	shalt  }
0x5e: {  	_ =	shalt  }
0x5f: {  	_ =	shalt  }
0x60: {  	_ =	shalt  }
0x61: {  	_ =	shalt  }
0x62: {  	_ =	shalt  }
0x63: {  	_ =	shalt  }
0x64: {  	_ =	shalt  }
0x65: {  	_ =	shalt  }
0x66: {  	_ =	shalt  }
0x67: {  	_ =	shalt  }
0x68: {  	_ =	shalt  }
0x69: {  	_ =	shalt  }
0x6a: {  	_ =	shalt  }
0x6b: {  	_ =	shalt  }
0x6c: {  	_ =	shalt  }
0x6d: {  	_ =	shalt  }
0x6e: {  	_ =	shalt  }
0x6f: {  	_ =	shalt  }
0x70: {  	_ =	shalt  }
0x71: {  	_ =	shalt  }
0x72: {  	_ =	shalt  }
0x73: {  	_ =	shalt  }
0x74: {  	_ =	shalt  }
0x75: {  	_ =	shalt  }
0x76: {  	_ =	shalt  }
0x77: {  	_ =	shalt  }
0x78: {  	_ =	shalt  }
0x79: {  	_ =	shalt  }
0x7a: {  	_ =	shalt  }
0x7b: {  	_ =	shalt  }
0x7c: {  	_ =	shalt  }
0x7d: {  	_ =	shalt  }
0x7e: {  	_ =	shalt  }
0x7f: {  	_ =	shalt  }
0x80: {  	_ =	shalt  }
0x81: {  	_ =	shalt  }
0x82: {  	_ =	shalt  }
0x83: {  	_ =	shalt  }
0x84: {  	_ =	shalt  }
0x85: {  	_ =	shalt  }
0x86: {  	_ =	shalt  }
0x87: {  	_ =	shalt  }
.Lfunc_end0:
.L_simem_size_0:
called_computation.1_lowered:
.L_overlay_start_0:
0x88: {  	s2 =	sld [smem:$0x3FD9]  }
0x89: {  	s3 =	sld [smem:$0x3FFE];
	_ =	sdelay $0x1  }
0x8a: {  	s1 =	srdreg.scid  }
0x8b: {  	s0 =	sand.u32 $0x1, s1  }
0x8c: {  	s14 =	sshll.u32 s0, $0xA;
	s2 =	sadd.s32 s3, s2  }
0x8d: {  	s2 =	sadd.s32 s2, s14  }
0x8e: {  	[smem:$0x3FC5] =	sst s2  }
0x8f: {  	_ = 	snop  }
0x90: {  	s2 =	sld [smem:$0x3FD0];
	_ =	sdelay $0x2  }
0x91: {  	s15 =	simm.s32 $0xA;
	s4 =	simm.s32 $0x10  }
0x92: {  	[smem:s4], [sflag:s15] =	dma.local [hbm:s2], $0x1  }
0x93: {  	_ =	swait.eq [sflag:s15], $0x1  }
0x94: {  	[sflag:s15] =	ssyncset.done $0x0  }
0x95: {  	[sflag:s15] =	ssyncadd.s32 $0xFFFFFFFF  }
0x96: {  	s16 =	sld [smem:$0x10];
	(tm) =	ssettm $0x1  }
0x97: {  	s17 =	sld [smem:$0x3FFB];
	_ =	sdelay $0x3  }
0x98: {  	_ =	strace s17  }
0x99: {  	s3 =	sld [smem:$0x3FFC];
	_ =	sdelay $0x3  }
0x9a: {  	_ =	strace s3  }
0x9b: {  	s3 =	sld [smem:$0x3FFD];
	_ =	sdelay $0x3  }
0x9c: {  	_ =	strace s3  }
0x9d: {  	_ =	strace $0x8FFFFFFF  }
0x9e: {  	s18 =	sld [smem:$0x3FDB];
	_ =	sdelay $0x1  }
0x9f: {  	s19 =	simm.s32 $_scs_section_size  }
0xa0: {  	s5 =	simm.s32 $_size__tile_overlayer_lowered;
	s6 =	simm.s32 $_tile_overlayer_lowered  }
0xa1: {  	s22 =	simm.s32 $0x1BFF;
	s21 =	sshll.u32 s6, $0x1;
	s3 =	sadd.s32 s19, s18  }
0xa2: {  	s7 =	simm.s32 $0x0;
	s20 =	sshll.u32 s5, $0x1;
	s5 =	sadd.s32 s21, s3  }
0xa3: {  	[timem:s7], [sflag:s22] =	dma.local [hbm:s5], s20  }
0xa4: {  	_ =	swait.ge [sflag:s22], s20  }
0xa5: {  	s4 =	ssub.s32 $0x0, s20;
	[sflag:s22] =	ssyncset.done $0x0  }
0xa6: {  	[sflag:s22] =	ssyncadd.s32 s4;
	_ =	sdelay $0x1  }
0xa7: {  	s23 =	simm.s32 $0x1B8B  }
0xa8: {  	_ =	swait.ge [sflag:s23], $0x1  }
0xa9: {  	[sflag:s23] =	ssyncset.done $0x0  }
0xaa: {  	s25 =	simm.s32 $0x1B8E;
	s24 =	sld [smem:$0x3FFE];
	[sflag:s23] =	ssyncadd.s32 $0xFFFFFFFF  }
0xab: {  	s26 =	simm.s32 $execute0_lowered;
	[smem:$0x3FD2] =	sst s25  }
0xac: {  	s5 =	sshll.u32 s26, $0x1;
	_ =	strace $0x80000046;
	[dreg:$0x1] =	wrdreg $0xFFFFFFFF  }
0xad: {  	s28 =	simm.s32 $_size_execute0_lowered;
	s3 =	sadd.s32 s3, s5;
	[dreg:$0x0] =	wrdreg $0x0  }
0xae: {  	s5 =	sshll.u32 s28, $0x1;
	[dreg:$0x2] =	wrdreg s3  }
0xaf: {  	[dreg:$0x3] =	wrdreg s5  }
0xb0: {  	[dreg:$0x4] =	wrdreg $0xC0  }
0xb1: {  	_ =	task [dreg:s7], $0x5FFFF  }
0xb2: {  	[dreg:$0x1] =	wrdreg $0xFFFFFFFF  }
0xb3: {  	[dreg:$0x0] =	wrdreg $0x60  }
0xb4: {  	[dreg:$0x2] =	wrdreg s16  }
0xb5: {  	[dreg:$0x3] =	wrdreg s24  }
0xb6: {  	[dreg:$0x4] =	wrdreg $0x9  }
0xb7: {  	_ =	task.clear_ibuf [dreg:s7], $0x5FFFF;
	_ =	strace $0x90000046  }
0xb8: {  	s29 =	simm.s32 $0x9;
	_ =	strace $0x80000048  }
0xb9: {  	_ =	swait.ge [sflag:s29], $0x1  }
0xba: {  	[sflag:s29] =	ssyncadd.s32 $0xFFFFFFFF  }
0xbb: {  	_ =	strace $0x90000048  }
0xbc: {  	_ =	sfence  }
0xbd: {  	s30 =	sld [smem:$0x0];
	_ =	sdelay $0x2  }
0xbe: {  	s31 =	sshll.u32 s1, $0xD;
	s1 =	sshrl.u32 s1, $0x2  }
0xbf: {  	s3 =	sand.u32 $0x4000, s31;
	s1 =	sadd.s32 s1, s30  }
0xc0: {  	s0 =	sor.u32 s3, s0;
	s1 =	sshll.u32 s1, $0x11  }
0xc1: {  	s0 =	sor.u32 s1, s0  }
0xc2: {  	s0 =	sadd.s32 $0x8F2B, s0  }
0xc3: {  	[sflag:s0] =	ssyncadd.remote.s32 $0x1  }
0xc4: {  	_ =	sfence.sel $0xFFFF  }
0xc5: {  	[dreg:$0x0] =	wrdreg $0xFFFFFFFF;
	(pc) =	sbr.abs _section_cstart, $3  }
0xc6: {  	[dreg:$0x1] =	wrdreg $0xFFFFFFFF  }
0xc7: {  	_ =	task.clear_ibuf [dreg:s7], $0x2FFFF;
	_ =	strace $0x9FFFFFFF  }
0xc8: {  	(tm) =	ssettm $0x7FFFFFFF  }
0xc9: {  	_ =	shalt  }
tec
execute0_lowered:
.L_overlay_start_1:
0x0: {  	(tag) =	ssettag $0x1  }
0x1: {  	s5 =	rddreg [dreg:$0x0]  }
0x2: {  	s0 =	rddreg [dreg:$0x1]  }
0x3: {  	s1 =	srdreg.scid;
	s4 =	stileid.u32;
	s6 =	simm.s32 $0x0  }
0x4: {  	s1 =	sand.u32 $0x1, s1;
	s2 =	sshll.u32 s4, $0x1;
	[smem:$0x7FF] =	sst s6  }
0x5: {  	s8 =	sadd.s32 $0xC36200, s0;
	s4 =	smul.u32 $0x320, s4;
	s0 =	sadd.s32 $0x1200, s0  }
0x6: {  	s7 =	sor.u32 s1, s2;
	_ =	strace $0x80000047;
	[dreg:$0x1a] =	wrdreg s0  }
0x7: {  	s3 =	ssub.s32 $0x2, s1;
	s1 =	smul.u32 $0x190, s1;
	[dreg:$0x3] =	wrdreg s8  }
0x8: {  	s2 =	smul.u32 $0x32, s7;
	s26 =	sor.u32 $0xFFFFFFE0, s7;
	[dreg:$0x19] =	wrdreg s7  }
0x9: {  	v0 =	vimm.s32 $0xECA86420;
	vm0 =	vcmask $0xB08;
	vm1 =	vcmask $0x1310;
	s24 =	sshrl.u32 s3, $0x1;
	s28 =	sor.u32 $0x40, s7;
	[dreg:$0x1c] =	wrdreg s26  }
0xa: {  	vm2 =	vcmask $0x1B18;
	vm4 =	vcmask $0x300;
	vm5 =	vcmask $0x2320;
	s25 =	smul.u32 $0x190, s7;
	s29 =	ssub.s32 $0x408, s7;
	[dreg:$0x1d] =	wrdreg s28  }
.Ltmp0:
0xb: {  	vm6 =	vcmask $0x2B28;
	vm7 =	vcmask $0x3330;
	vm9 =	vcmask $0x3B38;
	[dreg:$0x1f] =	wrdreg s29;
	s30 =	sadd.s32 s1, s4;
	(pc) =	sbr.rel .LBB2_1-.Ltmp0, $4  }
0xc: {  	vm15 =	vmmov $0xff;
	vm11 =	vcmask $0x1714;
	vm12 =	vcmask $0x1F1C;
	s0 =	ssub.s32 s3, s24;
	s2 =	sadd.s32 s5, s2;
	[smem:$0x7FC] =	sst s30  }
0xd: {  	vm8 =	vmmov $0xffff;
	v3 =	vimm.s32 $0x0;
	v1 =	vunpack.c.l.s4.s8 v0;
	s0 =	smax.u32 s0, $0x1;
	[dreg:$0x1b] =	wrdreg s2  }
0xe: {  	vm13 =	vcmask $0x2724;
	v0 =	vlaneseq.u32;
	v3 =	vsel vm8, $0xFFFFFFFF, v3;
	s31 =	sadd.s32 $0x3200, s25;
	[dreg:$0x1e] =	wrdreg s0  }
0xf: {  	vm14 =	vcmask $0x2F2C;
	v2 =	vmul.u32 $0x2, v0;
	[tilespmem:$0x1FFF0] =	vst v3;
	v1 =	vunpack.c.0.s8.s32 v1;
	s1 =	simm.s32 $0x0;
	[smem:$0x7FD] =	sst s31  }
.LBB2_11:
0x10: {  	s1 =	sld [smem:$0x7FB];
	_ =	sdelay $0x2  }
0x11: {  	s0 =	rddreg [dreg:$0x1e];
	s1 =	sadd.s32 $0x1, s1  }
0x12: {  	p0 =	sne.s32 s1, s0  }
.Ltmp1:
0x13: {  	_ = 	snop;
	(pc) =	sbr.rel @!p0 .LBB2_12-.Ltmp1, $1  }
0x14: {  	_ =	sdelay $0x3  }
.LBB2_1:
.Ltmp2:
0x15: {  	[smem:$0x7FB] =	sst s1;
	(pc) =	sbr.rel .LBB2_2-.Ltmp2, $4  }
0x16: {  	s0 =	rddreg [dreg:$0x1b]  }
0x17: {  	s5 =	sld [smem:$0x7FD]  }
0x18: {  	s12 =	sld [smem:$0x7FC];
	s7 =	simm.s32 $0x0  }
0x19: {  	[tilespmem:s6], [sflag:$0x1] =	stream.linear.gather [hbm4b:s0+s6], $0x190, $0x38;
	[tilespmem:$0x19320] =	vst v63  }
.LBB2_10:
0x1a: {  	s7 =	sadd.s32 $0x1, s7  }
0x1b: {  	p0 =	sne.s32 s7, $0x11  }
.Ltmp3:
0x1c: {  	_ = 	snop;
	(pc) =	sbr.rel @!p0 .LBB2_11-.Ltmp3, $2  }
0x1d: {  	_ =	sdelay $0x2  }
0x1e: {  	s5 =	sadd.s32 $0x6400, s5;
	s12 =	sadd.s32 $0x6400, s12  }
.LBB2_2:
0x1f: {  	s0 =	sshll.u32 s7, $0x1;
	p1 =	sne.s32 s7, $0x0  }
0x20: {  	s1 =	sadd.s32 @p1 $0xFFFFFFFE, s0  }
0x21: {  	s9 =	sshll.u32 s7, $0x6;
	s2 =	rddreg [dreg:$0x1c];
	p2 =	sgt.u32 @p1 s1, $0x1F  }
0x22: {  	s11 =	sadd.s32 @p1 s2, s9;
	p0 =	por p2, !p1  }
0x23: {  	s1 =	simm.s32 @p1 $0x5;
	p3 =	sgt.s32 @!p0 s11, $0x3E7  }
0x24: {  	_ =	swait.ge @p1 [sflag:s1], $0xC800;
	p0 =	por @p1 p3, p2  }
0x25: {  	[sflag:s1] =	ssyncset.done @p1 $0x0;
	p4 =	por p0, !p1  }
0x26: {  	[sflag:s1] =	ssyncadd.s32 @p1 $0xFFFF3800;
	s1 =	simm.s32 @!p4 $0x4  }
0x27: {  	s10 =	sor.u32 $0x1, s0;
	s2 =	smul.u32 @!p4 $0xC800, s11;
	_ =	swait.ge @!p4 [sflag:s1], $0xC800  }
0x28: {  	s0 =	sshll.u32 s10, $0x5;
	s3 =	simm.s32 @!p4 $0xCB20;
	s4 =	rddreg [dreg:$0x19]  }
0x29: {  	[sflag:s1] =	ssyncset.done @!p4 $0x0;
	s2 =	sshrl.u32 @!p4 s2, $0x3;
	s0 =	sor.u32 s4, s0  }
0x2a: {  	[sflag:s1] =	ssyncadd.s32 @!p4 $0xFFFF3800;
	s1 =	rddreg [dreg:$0x1a];
	p0 =	sgt.u32 s0, $0x3E7  }
0x2b: {  	s1 =	sadd.s32 @!p4 s1, s2;
	s2 =	simm.s32 @!p4 $0x0;
	s0 =	smul.u32 @!p0 $0x32, s0  }
0x2c: {  	[hbm4b:s1+s2] =	stream.linear.scatter @!p4 [tilespmem:s3], [sflag:$0x6], $0xC800, $0x38;
	[tilespmem:$0x19320] =	vst v63  }
0x2d: {  	s1 =	rddreg [dreg:$0x0]  }
0x2e: {  	s2 =	simm.s32 @!p0 $0x190;
	s0 =	sadd.s32 @!p0 s1, s0;
	s1 =	simm.s32 @!p0 $0x0  }
0x2f: {  	[tilespmem:s2], [sflag:$0x2] =	stream.linear.gather @!p0 [hbm4b:s0+s1], $0x190, $0x38;
	[tilespmem:$0x19320] =	vst v63  }
0x30: {  	p5 =	seq.s32 s7, $0x10;
	s1 =	sor.u32 s4, s9  }
0x31: {  	p6 =	sgt.u32 @!p5 s1, $0x3E7  }
0x32: {  	p5 =	por p5, p6  }
.Ltmp4:
0x33: {  	_ = 	snop;
	(pc) =	sbr.rel @p5 .LBB2_6-.Ltmp4, $4  }
0x34: {  	_ = 	snop  }
0x35: {  	[smem:$0x7F8] =	sst s5  }
0x36: {  	[smem:$0x7F9] =	sst s12  }
0x37: {  	[smem:$0x7FA] =	sst s7  }
0x38: {  	[smem:$0x7D9] =	sst s1  }
0x39: {  	[smem:$0x7DA] =	sst s11  }
0x3a: {  	[smem:$0x7DB] =	sst s10  }
0x3b: {  	[smem:$0x7DC] =	sst s9;
	s0 =	simm.s32 $0x1  }
0x3c: {  	v3 =	vor.u32 s12, v0;
	_ =	swait.ge [sflag:s0], $0x190  }
0x3d: {  	(v2sf) =	vpush v3, $0x4  }
0x3e: {  	(v2sf) =	vpush v3, $0x3;
	_ =	sdelay $0x1  }
0x3f: {  	(v2sf) =	vpush v3, $0xC  }
0x40: {  	(v2sf) =	vpush v3, $0x0;
	_ =	sdelay $0x3  }
0x41: {  	(v2sf) =	vpush v3, $0x2  }
0x42: {  	(v2sf) =	vpush v3, $0x7  }
0x43: {  	(v2sf) =	vpush v3, $0x9  }
0x44: {  	(v2sf) =	vpush v3, $0x1  }
0x45: {  	(v2sf) =	vpush v3, $0x5  }
0x46: {  	(v2sf) =	vpush v3, $0x8  }
0x47: {  	(v2sf) =	vpush v3, $0xE  }
0x48: {  	(v2sf) =	vpush v3, $0xD;
	s2 =	spop (v2sf)  }
0x49: {  	(v2sf) =	vpush v3, $0xA;
	s7 =	spop (v2sf);
	s31 =	smulhi.u32 $0x14F8B589, s2  }
0x4a: {  	(v2sf) =	vpush v3, $0xB;
	s2 =	sshra.s32 s2, $0x1F;
	s26 =	smulhi.u32 $0x14F8B589, s7  }
0x4b: {  	(v2sf) =	vpush v3, $0xF;
	s17 =	spop (v2sf);
	s14 =	sshra.s32 s7, $0x1F;
	s5 =	smul.u32 $0x14F8B589, s2  }
0x4c: {  	s18 =	spop (v2sf);
	s0 =	smul.u32 $0x14F8B589, s14  }
0x4d: {  	s16 =	sshra.s32 s17, $0x1F;
	s28 =	smulhi.u32 $0x14F8B589, s18  }
0x4e: {  	s9 =	smul.u32 $0x14F8B589, s16  }
0x4f: {  	s1 =	sshra.s32 s18, $0x1F;
	[smem:$0x7DF] =	sst s5;
	s5 =	smulhi.u32 $0x14F8B589, s17  }
0x50: {  	s19 =	spop (v2sf);
	s11 =	smul.u32 $0x14F8B589, s1  }
0x51: {  	s4 =	spop (v2sf);
	s3 =	smulhi.u32 $0x14F8B589, s19  }
0x52: {  	s19 =	sshra.s32 s19, $0x1F;
	s20 =	spop (v2sf);
	s23 =	smulhi.u32 $0x14F8B589, s4  }
0x53: {  	s6 =	sshra.s32 s4, $0x1F;
	s19 =	smul.u32 $0x14F8B589, s19;
	s21 =	spop (v2sf)  }
0x54: {  	(v2sf) =	vpush v3, $0x6;
	s24 =	smul.u32 $0x14F8B589, s6;
	s25 =	spop (v2sf)  }
0x55: {  	[smem:$0x7E2] =	sst s3;
	s6 =	sadd.s32 $0x10, s12;
	s15 =	spop (v2sf)  }
0x56: {  	s17 =	sadd.s32 s11, s28;
	s11 =	sld [smem:$0x7DF];
	s22 =	spop (v2sf)  }
0x57: {  	s2 =	sshra.s32 s21, $0x1F;
	[smem:$0x7DE] =	sst s24;
	s24 =	spop (v2sf)  }
0x58: {  	s30 =	smulhi.u32 $0x14F8B589, s25;
	s1 =	sshra.s32 s25, $0x1F;
	s25 =	spop (v2sf)  }
0x59: {  	v3 =	vor.u32 s6, v0;
	s3 =	smul.u32 $0x14F8B589, s2;
	s8 =	spop (v2sf)  }
0x5a: {  	s4 =	smul.u32 $0x14F8B589, s1;
	s18 =	spop (v2sf);
	(v2sf) =	vpush v3, $0x4  }
0x5b: {  	[smem:$0x7DD] =	sst s23;
	s7 =	smulhi.u32 $0x14F8B589, s15;
	(v2sf) =	vpush v3, $0x3  }
0x5c: {  	[smem:$0x7E0] =	sst s30;
	s30 =	smulhi.u32 $0x14F8B589, s21;
	(v2sf) =	vpush v3, $0xC  }
0x5d: {  	[smem:$0x7F7] =	sst s6;
	s21 =	smulhi.u32 $0x14F8B589, s20;
	s20 =	sshra.s32 s20, $0x1F;
	(v2sf) =	vpush v3, $0x0  }
0x5e: {  	[smem:$0x7E1] =	sst s4;
	s4 =	smul.u32 $0x14F8B589, s20;
	(v2sf) =	vpush v3, $0x2  }
0x5f: {  	s28 =	sld [smem:$0x7DE];
	s12 =	smulhi.u32 $0x14F8B589, s8;
	(v2sf) =	vpush v3, $0x7  }
0x60: {  	[smem:$0x7E6] =	sst s3;
	s13 =	smulhi.u32 $0x14F8B589, s18;
	s18 =	sshra.s32 s18, $0x1F;
	(v2sf) =	vpush v3, $0x9  }
0x61: {  	[smem:$0x7E5] =	sst s30;
	s14 =	smul.u32 $0x14F8B589, s18  }
0x62: {  	[smem:$0x7E7] =	sst s4;
	s18 =	smulhi.u32 $0x14F8B589, s22;
	s22 =	sshra.s32 s22, $0x1F  }
0x63: {  	s15 =	sshra.s32 s15, $0x1F;
	s6 =	spop (v2sf);
	s23 =	smul.u32 $0x14F8B589, s22  }
0x64: {  	[smem:$0x7EA] =	sst s14;
	s14 =	smul.u32 $0x14F8B589, s15;
	(v2sf) =	vpush v3, $0x1  }
0x65: {  	[smem:$0x7E9] =	sst s13;
	s15 =	smulhi.u32 $0x14F8B589, s25  }
0x66: {  	[smem:$0x7E3] =	sst s18;
	s18 =	smulhi.u32 $0x14F8B589, s24  }
0x67: {  	s22 =	sshra.s32 s24, $0x1F;
	s24 =	smulhi.u32 $0x14F8B589, s6;
	[smem:$0x7E4] =	sst s23  }
0x68: {  	s23 =	smul.u32 $0x14F8B589, s22;
	[smem:$0x7E8] =	sst s15;
	(v2sf) =	vpush v3, $0x5  }
0x69: {  	[smem:$0x7EB] =	sst s18;
	s3 =	spop (v2sf)  }
0x6a: {  	s16 =	sshra.s32 s25, $0x1F;
	[smem:$0x7ED] =	sst s24;
	(v2sf) =	vpush v3, $0x8;
	s4 =	spop (v2sf)  }
0x6b: {  	s10 =	sshra.s32 s8, $0x1F;
	[smem:$0x7EC] =	sst s23;
	(v2sf) =	vpush v3, $0xE;
	s23 =	spop (v2sf)  }
0x6c: {  	s14 =	sadd.s32 s14, s7;
	s7 =	sld [smem:$0x7E5];
	(v2sf) =	vpush v3, $0xD;
	s25 =	spop (v2sf)  }
0x6d: {  	s8 =	sshra.s32 s6, $0x1F;
	(v2sf) =	vpush v3, $0xA;
	s1 =	spop (v2sf);
	s30 =	smulhi.u32 $0x14F8B589, s25  }
0x6e: {  	s6 =	sshra.s32 s25, $0x1F;
	s25 =	sld [smem:$0x7DD];
	s15 =	spop (v2sf)  }
0x6f: {  	[smem:$0x7EE] =	sst s30;
	s18 =	spop (v2sf)  }
0x70: {  	(v2sf) =	vpush v3, $0xB;
	s22 =	sshra.s32 s15, $0x1F;
	s29 =	smulhi.u32 $0x14F8B589, s15;
	s15 =	sld [smem:$0x7E0]  }
0x71: {  	s10 =	smul.u32 $0x14F8B589, s10;
	[smem:$0x7F3] =	sst s18  }
0x72: {  	s13 =	smul.u32 $0x14F8B589, s16;
	s18 =	sld [smem:$0x7E1]  }
0x73: {  	s24 =	spop (v2sf);
	s2 =	sadd.s32 s28, s25;
	s25 =	sld [smem:$0x7E2]  }
0x74: {  	s16 =	smul.u32 $0x14F8B589, s8;
	[smem:$0x7F4] =	sst s24  }
0x75: {  	s30 =	smul.u32 $0x14F8B589, s6;
	[smem:$0x7EF] =	sst s2  }
0x76: {  	s28 =	smul.u32 $0x14F8B589, s22;
	s2 =	sadd.s32 s11, s31;
	s11 =	sld [smem:$0x7E4]  }
0x77: {  	s8 =	spop (v2sf);
	[smem:$0x7F1] =	sst s2  }
0x78: {  	s31 =	smulhi.u32 $0x14F8B589, s8;
	s2 =	sadd.s32 s10, s12;
	s10 =	sadd.s32 s9, s5  }
0x79: {  	s9 =	sld [smem:$0x7E3];
	s20 =	sadd.s32 s19, s25;
	s19 =	spop (v2sf)  }
0x7a: {  	s22 =	sshra.s32 s8, $0x1F;
	[smem:$0x7F2] =	sst s2;
	s2 =	spop (v2sf)  }
0x7b: {  	s24 =	sadd.s32 s0, s26;
	s25 =	smul.u32 $0x14F8B589, s22;
	s5 =	spop (v2sf)  }
0x7c: {  	s6 =	sadd.s32 s18, s15;
	s22 =	smulhi.u32 $0x14F8B589, s4;
	s8 =	spop (v2sf)  }
0x7d: {  	s4 =	sshra.s32 s4, $0x1F;
	s15 =	smulhi.u32 $0x14F8B589, s1;
	[smem:$0x7F5] =	sst s8  }
0x7e: {  	s1 =	sshra.s32 s1, $0x1F;
	s12 =	smul.u32 $0x14F8B589, s4;
	s8 =	sld [smem:$0x7E6]  }
0x7f: {  	s0 =	sadd.s32 s11, s9;
	s9 =	sld [smem:$0x7E7];
	s4 =	spop (v2sf)  }
0x80: {  	s11 =	smul.u32 $0x14F8B589, s1;
	[smem:$0x7F0] =	sst s0;
	s0 =	sshra.s32 s4, $0x1F  }
0x81: {  	s1 =	sadd.s32 s8, s7;
	s7 =	smulhi.u32 $0x14F8B589, s4;
	s4 =	sld [smem:$0x7E8]  }
0x82: {  	s26 =	smulhi.u32 $0x14F8B589, s3;
	s3 =	sshra.s32 s3, $0x1F;
	[smem:$0x7F6] =	sst s5  }
0x83: {  	s18 =	smul.u32 $0x14F8B589, s3;
	s5 =	sadd.s32 s9, s21;
	s9 =	sld [smem:$0x7E9]  }
0x84: {  	s28 =	sadd.s32 s28, s29;
	s21 =	sadd.s32 s13, s4;
	s13 =	sld [smem:$0x7EA]  }
0x85: {  	s3 =	sld [smem:$0x7EB];
	s29 =	sadd.s32 s18, s26;
	s26 =	smulhi.u32 $0x14F8B589, s23  }
0x86: {  	[dreg:$0xa] =	wrdreg s28;
	s8 =	smulhi.u32 $0x14F8B589, s19  }
0x87: {  	s19 =	sshra.s32 s19, $0x1F;
	s13 =	sadd.s32 s13, s9;
	s9 =	sld [smem:$0x7EC]  }
0x88: {  	s18 =	sshrl.u32 s5, $0x1F;
	s5 =	sshra.s32 s5, $0xC;
	s19 =	smul.u32 $0x14F8B589, s19  }
0x89: {  	s4 =	smul.u32 $0x14F8B589, s0;
	s0 =	sshra.s32 s23, $0x1F;
	s23 =	sadd.s32 s25, s31  }
0x8a: {  	s31 =	sadd.s32 s12, s22;
	s9 =	sadd.s32 s9, s3;
	s3 =	sld [smem:$0x7ED]  }
0x8b: {  	s12 =	sadd.s32 s11, s15;
	s15 =	sadd.s32 s19, s8;
	s22 =	simm.s32 $0x1  }
0x8c: {  	s8 =	sshra.s32 s17, $0x1F;
	s19 =	sshra.s32 s20, $0x1F;
	[sflag:s22] =	ssyncset.done $0x0  }
0x8d: {  	s16 =	sadd.s32 s16, s3;
	s3 =	smul.u32 $0x14F8B589, s0;
	s0 =	sld [smem:$0x7EE]  }
0x8e: {  	s4 =	sadd.s32 s4, s7;
	[sflag:s22] =	ssyncadd.s32 $0xFFFFFE70;
	s22 =	sshra.s32 s20, $0xC  }
0x8f: {  	s20 =	sshrl.u32 s20, $0x1F;
	s11 =	sadd.s32 s3, s26;
	s26 =	sld [smem:$0x7EF]  }
0x90: {  	s30 =	sadd.s32 s30, s0;
	s0 =	smulhi.u32 $0x14F8B589, s2;
	s2 =	sshra.s32 s2, $0x1F  }
0x91: {  	(v2sf) =	vpush v3, $0xF;
	[dreg:$0xc] =	wrdreg s4;
	s3 =	sshrl.u32 s17, $0x1F;
	s2 =	smul.u32 $0x14F8B589, s2  }
0x92: {  	s4 =	sshra.s32 s17, $0xC;
	s17 =	sshrl.u32 s6, $0x1F;
	v5 =	vmov s3;
	s3 =	sshrl.u32 s21, $0x1F  }
0x93: {  	s25 =	sshra.s32 s26, $0x1F;
	s7 =	sadd.s32 s2, s0;
	s0 =	sshra.s32 s6, $0x1F  }
0x94: {  	s2 =	sshra.s32 s6, $0xC;
	s6 =	sshrl.u32 s10, $0x1F;
	s10 =	sshra.s32 s10, $0xC;
	v4 =	vmov s25  }
0x95: {  	vm10 =	vcmask $0x704;
	s25 =	sshra.s32 s1, $0xC;
	v4 =	vsel vm4, s4, v4;
	s4 =	sshra.s32 s1, $0x1F;
	s1 =	sshrl.u32 s1, $0x1F  }
0x96: {  	v5 =	vnsel vm4, $0x0, v5;
	v6 =	vmov s10;
	s10 =	sshra.s32 s9, $0xC;
	v7 =	vmov s6;
	s6 =	sshrl.u32 s9, $0x1F;
	s9 =	sshrl.u32 s13, $0x1F  }
0x97: {  	vm3 =	vcmask $0xF0C;
	v4 =	vsel vm10, s8, v4;
	s8 =	sshra.s32 s14, $0xC;
	v5 =	vsel vm0, s1, v5;
	s1 =	sshra.s32 s21, $0xC;
	s21 =	sld [smem:$0x7F0]  }
0x98: {  	(v2sf) =	vpush v3, $0x6;
	s13 =	sshra.s32 s13, $0xC;
	s14 =	sshrl.u32 s14, $0x1F;
	v4 =	vsel vm0, s25, v4;
	v8 =	vmov s8;
	s25 =	sld [smem:$0x7F1]  }
0x99: {  	v9 =	vmov s14;
	s8 =	sshra.s32 s24, $0xC;
	s14 =	sshra.s32 s24, $0x1F;
	v3 =	vsel vm1, s20, v5;
	s20 =	sshra.s32 s16, $0x1F;
	v4 =	vsel vm3, s4, v4  }
0x9a: {  	v5 =	vsel vm0, s6, v7;
	s6 =	sshrl.u32 s16, $0x1F;
	v9 =	vsel vm0, s18, v9;
	s18 =	sshrl.u32 s24, $0x1F;
	s24 =	sld [smem:$0x7F2];
	v4 =	vsel vm1, s22, v4  }
0x9b: {  	v6 =	vsel vm0, s10, v6;
	v8 =	vsel vm0, s5, v8;
	s4 =	sshrl.u32 s21, $0x1F;
	s5 =	sshra.s32 s21, $0xC;
	v4 =	vsel vm11, s19, v4;
	s19 =	sshra.s32 s25, $0xC  }
0x9c: {  	v7 =	vsel vm1, s3, v9;
	s21 =	sshrl.u32 s25, $0x1F;
	s3 =	sshra.s32 s25, $0x1F;
	v6 =	vsel vm1, s5, v6;
	s5 =	sshrl.u32 s26, $0x1F  }
0x9d: {  	v5 =	vsel vm1, s4, v5;
	s25 =	sshrl.u32 s24, $0x1F;
	v4 =	vsel vm2, s8, v4;
	s8 =	sshra.s32 s16, $0xC;
	s22 =	sshra.s32 s24, $0xC  }
0x9e: {  	v8 =	vsel vm1, s1, v8;
	s24 =	sld [smem:$0x7F3];
	v6 =	vsel vm2, s13, v6;
	v5 =	vsel vm2, s9, v5;
	s9 =	sshra.s32 s23, $0x1F;
	s13 =	sshra.s32 s23, $0xC  }
0x9f: {  	v7 =	vsel vm2, s25, v7;
	v4 =	vsel vm12, s14, v4;
	s14 =	sshra.s32 s26, $0xC;
	s25 =	sld [smem:$0x7F4];
	v8 =	vsel vm2, s22, v8;
	s22 =	simm.s32 $0x320  }
0xa0: {  	[dreg:$0x13] =	wrdreg s9;
	s9 =	simm.s32 $0xC0;
	v4 =	vsel vm5, s19, v4;
	s19 =	spop (v2sf)  }
0xa1: {  	v3 =	vsel vm2, s18, v3;
	s18 =	smulhi.u32 $0x14F8B589, s24;
	s1 =	sshra.s32 s24, $0x1F;
	s24 =	sshrl.u32 s30, $0x1F  }
0xa2: {  	v3 =	vsel vm5, s21, v3;
	s4 =	smulhi.u32 $0x14F8B589, s19;
	s21 =	sshra.s32 s19, $0x1F;
	s19 =	sshrl.u32 s23, $0x1F  }
0xa3: {  	v4 =	vsel vm13, s3, v4;
	s26 =	sshra.s32 s25, $0x1F;
	s16 =	smulhi.u32 $0x14F8B589, s25;
	s25 =	sshra.s32 s30, $0xC  }
0xa4: {  	v3 =	vsel vm6, s17, v3;
	v4 =	vsel vm6, s2, v4;
	s2 =	sshra.s32 s30, $0x1F;
	s30 =	simm.s32 $0x40;
	[dreg:$0x11] =	wrdreg s19  }
0xa5: {  	v3 =	vsel vm7, s6, v3;
	s6 =	simm.s32 $0x0;
	s21 =	smul.u32 $0x14F8B589, s21;
	[dreg:$0xf] =	wrdreg s30  }
0xa6: {  	vm3 =	vcmask $0x3734;
	s23 =	sshra.s32 s11, $0xC;
	v4 =	vsel vm14, s0, v4;
	s26 =	smul.u32 $0x14F8B589, s26;
	s30 =	sld [smem:$0x7F7]  }
0xa7: {  	v6 =	vcombine.low v8, v6;
	v5 =	vcombine.low v7, v5;
	v7 =	vld [tilespmem:s6+$0x0];
	s6 =	sshra.s32 s12, $0x1F;
	s1 =	smul.u32 $0x14F8B589, s1;
	s0 =	spop (v2sf);
	v4 =	vsel vm7, s8, v4  }
0xa8: {  	v3 =	vsel vm9, s5, v3;
	v8 =	vmov s24;
	s8 =	sld [smem:$0x7F5];
	s24 =	sshra.s32 s0, $0x1F;
	v4 =	vsel vm3, s20, v4;
	s17 =	sadd.s32 s26, s16  }
0xa9: {  	v5 =	vperm.xlane v5, v1;
	v3 =	vperm.xlane v3, v2;
	s20 =	sld [smem:$0x7F6];
	v4 =	vsel vm9, s14, v4;
	s16 =	sadd.s32 $0x10, s30;
	s14 =	sadd.s32 s1, s18  }
0xaa: {  	v6 =	vperm.xlane v6, v1;
	s18 =	sshrl.u32 s11, $0x1F;
	s11 =	simm.s32 $0x80;
	s30 =	simm.s32 $0x1320;
	v4 =	vperm.xlane v4, v2  }
0xab: {  	vm10 =	vmmov vm3;
	v5 =	vsel vm15, v3, v5;
	s5 =	sshra.s32 s17, $0x1F;
	s10 =	sshra.s32 s8, $0x1F;
	[dreg:$0x8] =	wrdreg s11  }
0xac: {  	vm3 =	vcmask $0x704;
	v3 =	vor.u32 s16, v0;
	[dreg:$0x6] =	wrdreg s30;
	s1 =	smul.u32 $0x14F8B589, s10;
	s10 =	sshra.s32 s28, $0x1F;
	v4 =	vsel vm15, v4, v6  }
0xad: {  	s26 =	sshra.s32 s20, $0x1F;
	s19 =	smulhi.u32 $0x14F8B589, s20;
	(v2sf) =	vpush v3, $0x4;
	s20 =	simm.s32 $0xB20;
	v6 =	vmov s10;
	v4 =	vadd.s32 v5, v4  }
0xae: {  	s3 =	smulhi.u32 $0x14F8B589, s8;
	s28 =	sshra.s32 s29, $0xC;
	[dreg:$0x4] =	wrdreg s20;
	(v2sf) =	vpush v3, $0x3;
	v5 =	vsel vm4, s25, v6;
	v4 =	vmul.u32 $0xC350, v4  }
0xaf: {  	s11 =	sshra.s32 s31, $0xC;
	[dreg:$0x15] =	wrdreg s28;
	s25 =	sshra.s32 s31, $0x1F;
	(v2sf) =	vpush v3, $0xC;
	v5 =	vsel vm3, s2, v5  }
0xb0: {  	s26 =	smul.u32 $0x14F8B589, s26;
	s20 =	sshra.s32 s12, $0xC;
	[dreg:$0x17] =	wrdreg s25;
	(v2sf) =	vpush v3, $0x0;
	v6 =	vadd.s32 v7, v4;
	v4 =	vnsel vm4, $0x0, v8  }
.LBB2_4:
0xb1: {  	s30 =	sshrl.u32 s14, $0x1F;
	s10 =	sshra.s32 s14, $0xC;
	s14 =	smov.u32 s9  }
0xb2: {  	s21 =	sadd.s32 s21, s4;
	s28 =	sshra.s32 s17, $0xC;
	s12 =	sshrl.u32 s12, $0x1F  }
0xb3: {  	s2 =	sshra.s32 s15, $0xC;
	s8 =	sshrl.u32 s17, $0x1F;
	s15 =	sshrl.u32 s15, $0x1F  }
0xb4: {  	v7 =	vmov s23;
	s0 =	smulhi.u32 $0x14F8B589, s0;
	s23 =	simm.s32 $0x0;
	p5 =	sne.s32 s9, $0x600  }
0xb5: {  	s9 =	sadd.s32 $0x40, s9;
	s16 =	sadd.s32 $0x10, s16;
	s3 =	sadd.s32 s1, s3  }
0xb6: {  	s1 =	sshrl.u32 s7, $0x1F;
	s4 =	sshrl.u32 s21, $0x1F;
	s19 =	sadd.s32 s26, s19  }
0xb7: {  	(v2sf) =	vpush v3, $0x2;
	v4 =	vsel vm0, s8, v4;
	v9 =	vmov s2;
	s2 =	rddreg [dreg:$0x3];
	s26 =	sshrl.u32 s29, $0x1F;
	s8 =	smul.u32 $0x14F8B589, s24  }
0xb8: {  	(v2sf) =	vpush v3, $0x7;
	[tilespmem:s22], [sflag:$0x3] =	stream.indirect_vreg.gather [hbm4b:s2+s23], $0x80, v6, vm8, $0xb8;
	[tilespmem:$0x19320] =	vst v63  }
0xb9: {  	v8 =	vmov s18;
	s18 =	sshra.s32 s3, $0xC;
	v4 =	vsel vm1, s12, v4;
	s12 =	sshra.s32 s21, $0xC;
	s21 =	rddreg [dreg:$0xf]  }
0xba: {  	vm3 =	vcmask $0xF0C;
	(v2sf) =	vpush v3, $0x9;
	s17 =	sshra.s32 s19, $0xC;
	v6 =	vmov s15;
	s0 =	sadd.s32 s8, s0;
	s8 =	rddreg [dreg:$0xc]  }
0xbb: {  	v5 =	vsel vm0, s28, v5;
	s25 =	sshrl.u32 s19, $0x1F;
	s3 =	sshrl.u32 s3, $0x1F;
	(v2sf) =	vpush v3, $0x1;
	v6 =	vsel vm0, s30, v6;
	s30 =	rddreg [dreg:$0xa]  }
0xbc: {  	v5 =	vsel vm3, s5, v5;
	s15 =	sshra.s32 s7, $0xC;
	s19 =	sshra.s32 s29, $0x1F;
	v8 =	vsel vm0, s25, v8;
	s25 =	rddreg [dreg:$0x17];
	(v2sf) =	vpush v3, $0x5  }
0xbd: {  	v9 =	vsel vm0, s10, v9;
	v5 =	vsel vm1, s20, v5;
	v7 =	vsel vm0, s17, v7;
	s22 =	sshra.s32 s21, $0x2;
	s17 =	sshrl.u32 s31, $0x1F;
	s21 =	rddreg [dreg:$0x11]  }
0xbe: {  	v9 =	vsel vm1, s18, v9;
	v5 =	vsel vm11, s6, v5;
	s28 =	sshrl.u32 s8, $0x1F;
	s10 =	sshrl.u32 s30, $0x1F;
	v4 =	vsel vm2, s17, v4;
	s20 =	sshrl.u32 s0, $0x1F  }
0xbf: {  	v7 =	vsel vm1, s15, v7;
	s18 =	sshra.s32 s0, $0xC;
	s24 =	sshra.s32 s8, $0xC;
	(v2sf) =	vpush v3, $0x8;
	v4 =	vsel vm5, s26, v4;
	s15 =	spop (v2sf)  }
0xc0: {  	v5 =	vsel vm2, s11, v5;
	s11 =	sshra.s32 s0, $0x1F;
	(v2sf) =	vpush v3, $0xE;
	v4 =	vsel vm6, s21, v4;
	s23 =	spop (v2sf);
	s2 =	smulhi.u32 $0x14F8B589, s15  }
0xc1: {  	s26 =	rddreg [dreg:$0x15];
	(v2sf) =	vpush v3, $0xD;
	v4 =	vsel vm7, s20, v4;
	s20 =	sshra.s32 s15, $0x1F;
	s0 =	smulhi.u32 $0x14F8B589, s23  }
0xc2: {  	v8 =	vsel vm1, s1, v8;
	v7 =	vsel vm2, s12, v7;
	s12 =	rddreg [dreg:$0x8];
	s1 =	sshra.s32 s23, $0x1F;
	s20 =	smul.u32 $0x14F8B589, s20  }
0xc3: {  	v6 =	vsel vm1, s3, v6;
	s8 =	sshra.s32 s30, $0xC;
	(v2sf) =	vpush v3, $0xA;
	s3 =	spop (v2sf);
	s1 =	smul.u32 $0x14F8B589, s1  }
0xc4: {  	v6 =	vsel vm2, s28, v6;
	v5 =	vsel vm12, s25, v5;
	(v2sf) =	vpush v3, $0xB;
	s6 =	sshra.s32 s3, $0x1F;
	s28 =	spop (v2sf);
	s3 =	smulhi.u32 $0x14F8B589, s3  }
0xc5: {  	v5 =	vsel vm5, s26, v5;
	s23 =	rddreg [dreg:$0x13];
	s30 =	smulhi.u32 $0x14F8B589, s28;
	s5 =	sshra.s32 s28, $0x1F  }
0xc6: {  	v5 =	vsel vm13, s19, v5;
	s19 =	spop (v2sf);
	s29 =	sadd.s32 s20, s2;
	s5 =	smul.u32 $0x14F8B589, s5  }
0xc7: {  	v63 =	vld [tilespmem:s22+$0x0];
	v9 =	vsel vm2, s24, v9;
	s7 =	sshra.s32 s19, $0x1F;
	s22 =	spop (v2sf);
	s19 =	smulhi.u32 $0x14F8B589, s19  }
0xc8: {  	v8 =	vsel vm2, s4, v8;
	v7 =	vcombine.low v9, v7;
	v5 =	vsel vm6, s13, v5;
	s31 =	sadd.s32 s1, s0;
	s24 =	sshra.s32 s22, $0x1F;
	s26 =	smulhi.u32 $0x14F8B589, s22  }
0xc9: {  	v6 =	vcombine.low v6, v8;
	(v2sf) =	vpush v3, $0xF;
	v5 =	vsel vm14, s23, v5;
	s25 =	spop (v2sf);
	s7 =	smul.u32 $0x14F8B589, s7;
	s4 =	sadd.s32 s5, s30  }
0xca: {  	v5 =	vsel vm7, s18, v5;
	s28 =	spop (v2sf);
	s5 =	smulhi.u32 $0x14F8B589, s25;
	s15 =	sshra.s32 s25, $0x1F  }
0xcb: {  	v7 =	vperm.xlane v7, v1;
	v6 =	vperm.xlane v6, v1;
	v5 =	vsel vm10, s11, v5;
	s13 =	smul.u32 $0x14F8B589, s24;
	s30 =	sshrl.u32 s4, $0x1F;
	s21 =	spop (v2sf)  }
0xcc: {  	v4 =	vsel vm9, s10, v4;
	(v2sf) =	vpush v3, $0x6;
	v3 =	vsel vm9, s8, v5;
	s17 =	sshra.s32 s28, $0x1F;
	s25 =	sshra.s32 s4, $0xC;
	s18 =	smulhi.u32 $0x14F8B589, s21  }
0xcd: {  	v4 =	vperm.xlane v4, v2;
	v3 =	vperm.xlane v3, v2;
	s11 =	sshra.s32 s21, $0x1F;
	s24 =	sadd.s32 s13, s26;
	s26 =	smulhi.u32 $0x14F8B589, s28  }
0xce: {  	s22 =	spop (v2sf);
	s21 =	sshra.s32 s4, $0x1F;
	s11 =	smul.u32 $0x14F8B589, s11  }
0xcf: {  	v4 =	vsel vm15, v4, v6;
	v8 =	vmov s30;
	s8 =	spop (v2sf);
	v3 =	vsel vm15, v3, v7;
	s10 =	sshra.s32 s22, $0x1F;
	s30 =	smulhi.u32 $0x14F8B589, s22  }
0xd0: {  	[dreg:$0xa] =	wrdreg s24;
	s28 =	sshra.s32 s24, $0x1F;
	s13 =	spop (v2sf);
	v3 =	vadd.s32 v4, v3  }
0xd1: {  	v4 =	vmov s28;
	s28 =	sshra.s32 s8, $0x1F;
	s8 =	smulhi.u32 $0x14F8B589, s8;
	v3 =	vmul.u32 $0xC350, v3;
	s20 =	sadd.s32 s11, s18  }
0xd2: {  	s23 =	spop (v2sf);
	s11 =	sshra.s32 s31, $0xC;
	s1 =	sshrl.u32 s20, $0x1F  }
0xd3: {  	s22 =	spop (v2sf);
	v6 =	vadd.s32 v63, v3;
	v3 =	vsel vm4, s25, v4;
	s25 =	smov.u32 s12;
	[dreg:$0x11] =	wrdreg s1  }
0xd4: {  	s24 =	sshra.s32 s22, $0x1F;
	s1 =	sshra.s32 s31, $0x1F;
	[dreg:$0xf] =	wrdreg s25  }
0xd5: {  	[dreg:$0x17] =	wrdreg s1;
	s18 =	smul.u32 $0x14F8B589, s24;
	s24 =	sshra.s32 s29, $0xC  }
0xd6: {  	s1 =	smul.u32 $0x14F8B589, s10;
	s10 =	smov.u32 s14;
	[dreg:$0x15] =	wrdreg s24  }
0xd7: {  	s2 =	sshra.s32 s13, $0x1F;
	s22 =	smulhi.u32 $0x14F8B589, s22;
	[dreg:$0x8] =	wrdreg s10  }
0xd8: {  	s25 =	sshra.s32 s23, $0x1F;
	s10 =	smul.u32 $0x14F8B589, s28;
	s12 =	spop (v2sf)  }
0xd9: {  	vm3 =	vcmask $0x704;
	s28 =	rddreg [dreg:$0x6];
	s4 =	smulhi.u32 $0x14F8B589, s12;
	s12 =	sshra.s32 s12, $0x1F  }
0xda: {  	v5 =	vsel vm3, s21, v3;
	s21 =	smul.u32 $0x14F8B589, s12;
	s12 =	sadd.s32 s7, s19;
	s7 =	sadd.s32 s18, s22  }
0xdb: {  	s18 =	rddreg [dreg:$0x4];
	s19 =	smov.u32 s28;
	s28 =	sadd.s32 $0x800, s28  }
0xdc: {  	[dreg:$0xc] =	wrdreg s7;
	s7 =	smul.u32 $0x14F8B589, s6;
	s6 =	sshra.s32 s12, $0x1F  }
0xdd: {  	s22 =	smov.u32 s18;
	[dreg:$0x4] =	wrdreg s19;
	s19 =	smulhi.u32 $0x14F8B589, s13  }
0xde: {  	s13 =	sshra.s32 s20, $0xC;
	s14 =	sadd.s32 s7, s3;
	s3 =	smulhi.u32 $0x14F8B589, s23  }
0xdf: {  	[dreg:$0x6] =	wrdreg s28;
	s7 =	sadd.s32 s10, s8;
	s10 =	smul.u32 $0x14F8B589, s17  }
.Ltmp5:
0xe0: {  	v3 =	vor.u32 s16, v0;
	s0 =	spop (v2sf);
	s23 =	sshra.s32 s20, $0x1F;
	(pc) =	sbr.rel @p5 .LBB2_4-.Ltmp5, $4  }
0xe1: {  	(v2sf) =	vpush v3, $0x4;
	s20 =	sshra.s32 s12, $0xC;
	s24 =	sshra.s32 s0, $0x1F;
	[dreg:$0x13] =	wrdreg s23  }
0xe2: {  	s18 =	sshrl.u32 s14, $0x1F;
	s23 =	sshra.s32 s14, $0xC;
	(v2sf) =	vpush v3, $0x3;
	s14 =	smul.u32 $0x14F8B589, s15  }
0xe3: {  	s15 =	sadd.s32 s1, s30;
	s1 =	smul.u32 $0x14F8B589, s25;
	(v2sf) =	vpush v3, $0xC;
	s17 =	sadd.s32 s10, s26  }
0xe4: {  	v4 =	vnsel vm4, $0x0, v8;
	s26 =	smul.u32 $0x14F8B589, s2;
	(v2sf) =	vpush v3, $0x0;
	s14 =	sadd.s32 s14, s5;
	s5 =	sshra.s32 s17, $0x1F  }
0xe5: {  	(v2sf) =	vpush v3, $0x2  }
0xe6: {  	(v2sf) =	vpush v3, $0x7  }
0xe7: {  	(v2sf) =	vpush v3, $0x9;
	_ =	sdelay $0x2  }
0xe8: {  	(v2sf) =	vpush v3, $0x1  }
0xe9: {  	(v2sf) =	vpush v3, $0x5;
	_ =	sdelay $0x2  }
0xea: {  	s2 =	rddreg [dreg:$0x3];
	s8 =	simm.s32 $0x0;
	(v2sf) =	vpush v3, $0x8  }
0xeb: {  	[tilespmem:s22], [sflag:$0x3] =	stream.indirect_vreg.gather [hbm4b:s2+s8], $0x80, v6, vm8, $0xb8;
	[tilespmem:$0x19320] =	vst v63  }
0xec: {  	s0 =	smulhi.u32 $0x14F8B589, s0;
	(v2sf) =	vpush v3, $0xE;
	s2 =	spop (v2sf)  }
0xed: {  	s9 =	smul.u32 $0x14F8B589, s24;
	s8 =	spop (v2sf)  }
0xee: {  	[smem:$0x7C6] =	sst s0;
	(v2sf) =	vpush v3, $0xD;
	s16 =	spop (v2sf)  }
0xef: {  	[smem:$0x7C7] =	sst s9;
	s10 =	spop (v2sf)  }
0xf0: {  	(v2sf) =	vpush v3, $0xA;
	s24 =	spop (v2sf);
	s22 =	smulhi.u32 $0x14F8B589, s10;
	s0 =	sshra.s32 s10, $0x1F  }
0xf1: {  	s28 =	spop (v2sf);
	s0 =	smul.u32 $0x14F8B589, s0  }
0xf2: {  	(v2sf) =	vpush v3, $0xB;
	[smem:$0x7C8] =	sst s22;
	s25 =	spop (v2sf)  }
0xf3: {  	s30 =	sshra.s32 s28, $0x1F;
	s22 =	smulhi.u32 $0x14F8B589, s28;
	[smem:$0x7C9] =	sst s0  }
0xf4: {  	[smem:$0x7D3] =	sst s25;
	s0 =	smul.u32 $0x14F8B589, s30  }
0xf5: {  	s10 =	spop (v2sf);
	s30 =	smulhi.u32 $0x14F8B589, s2  }
0xf6: {  	s2 =	sshra.s32 s2, $0x1F;
	[smem:$0x7CA] =	sst s22;
	s25 =	spop (v2sf)  }
0xf7: {  	s22 =	smul.u32 $0x14F8B589, s2;
	[smem:$0x7CB] =	sst s0  }
0xf8: {  	s28 =	smulhi.u32 $0x14F8B589, s25;
	[smem:$0x7CC] =	sst s30  }
0xf9: {  	s0 =	sshra.s32 s25, $0x1F;
	s2 =	spop (v2sf);
	s25 =	smulhi.u32 $0x14F8B589, s8  }
0xfa: {  	s0 =	smul.u32 $0x14F8B589, s0;
	[smem:$0x7CD] =	sst s22  }
0xfb: {  	s8 =	sshra.s32 s8, $0x1F;
	s9 =	spop (v2sf);
	[smem:$0x7CE] =	sst s28  }
0xfc: {  	s22 =	smul.u32 $0x14F8B589, s8;
	[smem:$0x7D0] =	sst s25  }
0xfd: {  	s30 =	spop (v2sf);
	[smem:$0x7CF] =	sst s0  }
0xfe: {  	s28 =	smulhi.u32 $0x14F8B589, s24;
	[smem:$0x7D6] =	sst s30  }
0xff: {  	s24 =	sshra.s32 s24, $0x1F;
	s8 =	spop (v2sf);
	s30 =	smulhi.u32 $0x14F8B589, s2  }
0x100: {  	s25 =	smul.u32 $0x14F8B589, s24;
	s2 =	sshra.s32 s2, $0x1F;
	[smem:$0x7D1] =	sst s28  }
0x101: {  	[smem:$0x7D2] =	sst s30;
	s30 =	sadd.s32 s1, s3;
	s24 =	spop (v2sf)  }
0x102: {  	s3 =	sld [smem:$0x7C6];
	s28 =	smulhi.u32 $0x14F8B589, s24;
	s0 =	sshra.s32 s24, $0x1F  }
0x103: {  	s24 =	smul.u32 $0x14F8B589, s2;
	s2 =	sadd.s32 s26, s19;
	s19 =	sld [smem:$0x7C7]  }
0x104: {  	_ = 	snop  }
0x105: {  	s4 =	sadd.s32 s21, s4;
	s21 =	sshra.s32 s16, $0x1F;
	s26 =	sld [smem:$0x7C9]  }
0x106: {  	s3 =	sadd.s32 s19, s3;
	s19 =	smul.u32 $0x14F8B589, s21;
	s21 =	sld [smem:$0x7C8]  }
0x107: {  	_ = 	snop  }
0x108: {  	s1 =	sld [smem:$0x7CA]  }
0x109: {  	s26 =	sadd.s32 s26, s21;
	s21 =	sld [smem:$0x7CB];
	_ =	sdelay $0x1  }
0x10a: {  	[smem:$0x7D4] =	sst s8  }
0x10b: {  	s8 =	smul.u32 $0x14F8B589, s0;
	s0 =	sadd.s32 s21, s1;
	s1 =	sld [smem:$0x7CC]  }
0x10c: {  	s21 =	sld [smem:$0x7CD]  }
0x10d: {  	(v2sf) =	vpush v3, $0xF  }
0x10e: {  	[smem:$0x7D5] =	sst s0  }
0x10f: {  	s0 =	sadd.s32 s21, s1;
	s1 =	sld [smem:$0x7CE]  }
0x110: {  	s21 =	sld [smem:$0x7CF];
	_ =	sdelay $0x1  }
0x111: {  	[smem:$0x7D7] =	sst s0  }
0x112: {  	s0 =	sadd.s32 s21, s1;
	s21 =	sld [smem:$0x7D0];
	_ =	sdelay $0x1  }
0x113: {  	[smem:$0x7D8] =	sst s0;
	s0 =	smulhi.u32 $0x14F8B589, s9  }
0x114: {  	s21 =	sadd.s32 s22, s21;
	s22 =	sshra.s32 s9, $0x1F;
	s9 =	sld [smem:$0x7D1]  }
0x115: {  	s16 =	smulhi.u32 $0x14F8B589, s16  }
0x116: {  	v49 =	vmov s23;
	v7 =	vmov s18;
	s18 =	sshra.s32 s15, $0xC;
	s23 =	sshra.s32 s2, $0xC;
	s22 =	smul.u32 $0x14F8B589, s22  }
0x117: {  	s1 =	smulhi.u32 $0x14F8B589, s10;
	s9 =	sadd.s32 s25, s9;
	s25 =	sshra.s32 s10, $0x1F  }
0x118: {  	s10 =	sadd.s32 s19, s16;
	s19 =	sadd.s32 s22, s0;
	s22 =	sld [smem:$0x7D2]  }
0x119: {  	s2 =	sshrl.u32 s2, $0x1F;
	v6 =	vsel vm0, s23, v49;
	s23 =	rddreg [dreg:$0x15];
	s28 =	sadd.s32 s8, s28  }
0x11a: {  	s8 =	spop (v2sf);
	s0 =	sshrl.u32 s14, $0x1F;
	s25 =	smul.u32 $0x14F8B589, s25  }
0x11b: {  	s16 =	sadd.s32 s24, s22;
	s24 =	sshra.s32 s17, $0xC;
	s17 =	sshrl.u32 s17, $0x1F  }
0x11c: {  	s22 =	sshrl.u32 s15, $0x1F;
	s15 =	sshrl.u32 s29, $0x1F;
	v5 =	vsel vm0, s24, v5;
	s24 =	sadd.s32 s25, s1  }
0x11d: {  	s25 =	sshra.s32 s14, $0xC;
	s14 =	sshrl.u32 s12, $0x1F;
	s1 =	sshrl.u32 s4, $0x1F  }
0x11e: {  	vm3 =	vcmask $0xF0C;
	v4 =	vsel vm0, s17, v4;
	v9 =	vmov s22;
	s4 =	sshra.s32 s4, $0xC;
	s17 =	rddreg [dreg:$0xc];
	s22 =	sshra.s32 s29, $0x1F  }
0x11f: {  	v8 =	vmov s18;
	(v2sf) =	vpush v3, $0x6;
	v5 =	vsel vm3, s5, v5;
	s18 =	sshrl.u32 s17, $0x1F;
	s29 =	sshra.s32 s17, $0xC;
	s17 =	rddreg [dreg:$0x11]  }
0x120: {  	s12 =	sshrl.u32 s3, $0x1F;
	v8 =	vsel vm0, s25, v8;
	v9 =	vsel vm0, s0, v9;
	s25 =	sshrl.u32 s30, $0x1F;
	v5 =	vsel vm1, s20, v5;
	s20 =	rddreg [dreg:$0x17]  }
0x121: {  	v3 =	vsel vm0, s2, v7;
	v4 =	vsel vm1, s14, v4;
	s5 =	sshrl.u32 s7, $0x1F;
	s14 =	sshrl.u32 s31, $0x1F;
	v50 =	vsel vm1, s25, v9;
	s25 =	sld [smem:$0x7D3]  }
0x122: {  	s0 =	sshra.s32 s3, $0xC;
	v4 =	vsel vm2, s14, v4;
	v3 =	vsel vm1, s5, v3;
	s14 =	sld [smem:$0x7D4];
	s5 =	sshra.s32 s10, $0xC  }
0x123: {  	s10 =	sshrl.u32 s10, $0x1F;
	v5 =	vsel vm11, s6, v5;
	s6 =	sshra.s32 s30, $0xC;
	v7 =	vsel vm2, s18, v50;
	s18 =	rddreg [dreg:$0x13]  }
0x124: {  	s30 =	sshra.s32 s7, $0xC;
	v54 =	vmov s10;
	s10 =	sld [smem:$0x7D7];
	v5 =	vsel vm2, s11, v5;
	s11 =	sshra.s32 s3, $0x1F  }
0x125: {  	vm8 =	vcmask $0x704;
	v4 =	vsel vm5, s15, v4;
	v6 =	vsel vm1, s30, v6;
	s30 =	rddreg [dreg:$0xa];
	s3 =	smulhi.u32 $0x14F8B589, s25;
	s7 =	sshra.s32 s25, $0x1F  }
0x126: {  	v3 =	vsel vm2, s1, v3;
	v8 =	vsel vm1, s6, v8;
	v4 =	vsel vm6, s17, v4;
	s31 =	sshrl.u32 s30, $0x1F;
	s2 =	sshra.s32 s30, $0xC;
	s15 =	smulhi.u32 $0x14F8B589, s14  }
0x127: {  	v3 =	vcombine.low v7, v3;
	v5 =	vsel vm12, s20, v5;
	v6 =	vsel vm2, s4, v6;
	s20 =	sshra.s32 s14, $0x1F;
	s25 =	sshra.s32 s8, $0x1F;
	s6 =	smul.u32 $0x14F8B589, s7  }
0x128: {  	v8 =	vsel vm2, s29, v8;
	v4 =	vsel vm7, s12, v4;
	s12 =	sld [smem:$0x7D5];
	s4 =	sshra.s32 s26, $0x1F;
	v5 =	vsel vm5, s23, v5;
	s23 =	smulhi.u32 $0x14F8B589, s8  }
0x129: {  	v10 =	vmov s5;
	s14 =	sshra.s32 s16, $0xC;
	s29 =	smul.u32 $0x14F8B589, s20;
	v4 =	vsel vm9, s31, v4;
	s31 =	sshra.s32 s26, $0xC;
	v6 =	vcombine.low v8, v6  }
0x12a: {  	s8 =	sshra.s32 s24, $0xC;
	v3 =	vperm.xlane v3, v1;
	v11 =	vmov s14;
	s20 =	rddreg [dreg:$0xf];
	v5 =	vsel vm13, s22, v5;
	s22 =	sshrl.u32 s26, $0x1F  }
0x12b: {  	s14 =	sshrl.u32 s10, $0x1F;
	v4 =	vperm.xlane v4, v2;
	v5 =	vsel vm6, s13, v5;
	s30 =	sshra.s32 s12, $0x1F;
	s3 =	sadd.s32 s6, s3;
	v52 =	vmov s22  }
0x12c: {  	s1 =	sadd.s32 s29, s15;
	s6 =	sld [smem:$0x7D6];
	s22 =	sshrl.u32 s16, $0x1F;
	v6 =	vperm.xlane v6, v1;
	v5 =	vsel vm14, s18, v5;
	v51 =	vmov s30  }
0x12d: {  	s13 =	sshra.s32 s9, $0xC;
	s15 =	sshra.s32 s9, $0x1F;
	v7 =	vnsel vm4, $0x0, v52;
	s18 =	sshrl.u32 s24, $0x1F;
	v3 =	vsel vm15, v4, v3;
	v55 =	vmov s22  }
0x12e: {  	s29 =	sshra.s32 s21, $0xC;
	s17 =	sshra.s32 s3, $0xC;
	s3 =	sshrl.u32 s3, $0x1F;
	v5 =	vsel vm7, s0, v5;
	v9 =	vsel vm4, s31, v51;
	v7 =	vsel vm0, s18, v7  }
0x12f: {  	v61 =	vld [tilespmem:$0x1FFF0];
	s16 =	sld [smem:$0x7D8];
	s26 =	sshrl.u32 s1, $0x1F;
	s0 =	smul.u32 $0x14F8B589, s25;
	v11 =	vsel vm0, s17, v11;
	v4 =	vsel vm0, s3, v55;
	v5 =	vsel vm10, s11, v5  }
0x130: {  	s1 =	sshra.s32 s1, $0xC;
	v9 =	vsel vm8, s4, v9;
	s7 =	sshra.s32 s6, $0x1F;
	s5 =	smulhi.u32 $0x14F8B589, s6;
	vm8 =	vcmask $0xF0C;
	v4 =	vsel vm1, s26, v4  }
0x131: {  	s11 =	sshra.s32 s24, $0x1F;
	s24 =	sshrl.u32 s9, $0x1F;
	v60 =	vsel vm1, s1, v11;
	v5 =	vsel vm9, s2, v5;
	v53 =	vsel vm0, s8, v9;
	s2 =	smul.u32 $0x14F8B589, s7  }
0x132: {  	s31 =	sshrl.u32 s28, $0x1F;
	s4 =	sshra.s32 s20, $0x2;
	v7 =	vsel vm1, s24, v7;
	s7 =	sshrl.u32 s21, $0x1F;
	v8 =	vsel vm8, s11, v53;
	v5 =	vperm.xlane v5, v2  }
0x133: {  	s6 =	sshra.s32 s19, $0xC;
	s0 =	sadd.s32 s0, s23;
	v12 =	vld [tilespmem:s4+$0x0];
	v4 =	vsel vm2, s31, v4;
	v58 =	vsel vm2, s7, v7;
	v8 =	vsel vm1, s13, v8;
	s2 =	sadd.s32 s2, s5  }
0x134: {  	s23 =	spop (v2sf);
	vm8 =	vnez.u8 v61;
	v8 =	vsel vm11, s15, v8;
	s25 =	sshra.s32 s2, $0xC;
	s2 =	sshrl.u32 s2, $0x1F;
	v5 =	vsel vm15, v5, v6  }
0x135: {  	s8 =	sshra.s32 s21, $0x1F;
	s30 =	sshra.s32 s23, $0x1F;
	s11 =	sshra.s32 s10, $0xC;
	v9 =	vsel vm0, s2, v54;
	v56 =	vsel vm2, s29, v8;
	v3 =	vadd.s32 v3, v5  }
0x136: {  	s5 =	smulhi.u32 $0x14F8B589, s23;
	s13 =	sshrl.u32 s19, $0x1F;
	s19 =	sshra.s32 s28, $0xC;
	v10 =	vsel vm0, s25, v10;
	v3 =	vmul.u32 $0xC350, v3;
	v6 =	vsel vm12, s8, v56  }
0x137: {  	s4 =	smul.u32 $0x14F8B589, s30;
	s15 =	sshra.s32 s10, $0x1F;
	v5 =	vsel vm5, s14, v58;
	v8 =	vsel vm2, s19, v60;
	v6 =	vsel vm5, s11, v6  }
0x138: {  	s17 =	sshrl.u32 s16, $0x1F;
	s18 =	sshra.s32 s16, $0xC;
	s20 =	sshra.s32 s16, $0x1F;
	v57 =	vsel vm1, s6, v10;
	v3 =	vadd.s32 v12, v3;
	v6 =	vsel vm13, s15, v6  }
0x139: {  	s9 =	sshra.s32 s0, $0xC;
	s0 =	sshrl.u32 s0, $0x1F;
	s4 =	sadd.s32 s4, s5;
	v9 =	vsel vm1, s13, v9;
	v5 =	vsel vm6, s17, v5;
	v6 =	vsel vm6, s18, v6  }
0x13a: {  	s26 =	rddreg [dreg:$0x4];
	s21 =	sshrl.u32 s4, $0x1F;
	s22 =	sshra.s32 s4, $0xC;
	v59 =	vsel vm2, s9, v57;
	v9 =	vsel vm2, s0, v9;
	v6 =	vsel vm14, s20, v6  }
0x13b: {  	s23 =	sshrl.u32 s12, $0x1F;
	s30 =	rddreg [dreg:$0x8];
	s24 =	sshra.s32 s4, $0x1F;
	v5 =	vsel vm7, s21, v5;
	v7 =	vcombine.low v8, v59;
	v6 =	vsel vm7, s22, v6  }
0x13c: {  	s28 =	simm.s32 $0x0;
	s25 =	sshra.s32 s12, $0xC;
	s29 =	rddreg [dreg:$0x3];
	v4 =	vcombine.low v4, v9;
	v5 =	vsel vm9, s23, v5;
	v6 =	vsel vm10, s24, v6  }
0x13d: {  	v5 =	vperm.xlane v5, v2;
	v62 =	vperm.xlane v7, v1;
	[tilespmem:s26], [sflag:$0x3] =	stream.indirect_vreg.gather [hbm4b:s29+s28], $0x80, v3, vm8, $0xb8;
	v3 =	vsel vm9, s25, v6;
	[tilespmem:$0x19320] =	vst v63  }
0x13e: {  	s0 =	sshra.s32 s30, $0x2;
	v4 =	vperm.xlane v4, v1;
	v3 =	vperm.xlane v3, v2  }
0x13f: {  	v63 =	vld [tilespmem:s0+$0x0]  }
0x140: {  	v4 =	vsel vm15, v5, v4;
	v3 =	vsel vm15, v3, v62  }
0x141: {  	s1 =	sld [smem:$0x7D9];
	v3 =	vadd.s32 v4, v3  }
0x142: {  	s31 =	rddreg [dreg:$0x6];
	v3 =	vmul.u32 $0xC350, v3  }
0x143: {  	s7 =	sld [smem:$0x7FA]  }
0x144: {  	s10 =	sld [smem:$0x7DB];
	v3 =	vadd.s32 v63, v3  }
0x145: {  	s5 =	sld [smem:$0x7F8]  }
0x146: {  	s12 =	sld [smem:$0x7F9]  }
0x147: {  	s9 =	sld [smem:$0x7DC]  }
0x148: {  	s6 =	simm.s32 $0x0;
	s11 =	sld [smem:$0x7DA]  }
0x149: {  	[tilespmem:s31], [sflag:$0x3] =	stream.indirect_vreg.gather [hbm4b:s29+s28], $0x80, v3, vm8, $0xb8;
	[tilespmem:$0x19320] =	vst v63  }
.LBB2_6:
0x14a: {  	_ = 	snop  }
0x14b: {  	p3 =	por @p1 !p3, p2;
	p5 =	slt.s32 @p1 s11, $0x3E8  }
0x14c: {  	p4 =	por @!p4 $0x1, $0x1;
	p3 =	por !p3, !p1;
	p6 =	por p5, p5  }
0x14d: {  	p2 =	por !p2, !p1;
	s0 =	rddreg [dreg:$0x1f];
	p6 =	por @!p3 p4, p4  }
0x14e: {  	p6 =	por @!p2 p5, p5;
	p2 =	slt.u32 @!p1 s9, s0  }
0x14f: {  	p6 =	por @!p1 p2, p2  }
0x150: {  	p5 =	seq.s32 s7, $0x0;
	p2 =	por !p6, !p6  }
0x151: {  	p1 =	por p5, p2  }
0x152: {  	p2 =	sgt.u32 s10, $0x20;
	s0 =	simm.s32 @!p1 $0x6  }
0x153: {  	p3 =	sgt.u32 @!p2 s1, $0x3E7;
	_ =	swait.ge @!p1 [sflag:s0], $0xC800  }
0x154: {  	p2 =	por p3, p2;
	[sflag:s0] =	ssyncset.done @!p1 $0x0  }
0x155: {  	[sflag:s0] =	ssyncadd.s32 @!p1 $0xFFFF3800;
	s0 =	simm.s32 @!p2 $0x3  }
0x156: {  	_ =	swait.ge @!p2 [sflag:s0], $0xC800  }
0x157: {  	s2 =	rddreg [dreg:$0x1d]  }
0x158: {  	s1 =	smul.u32 @!p2 $0x1900, s1;
	s2 =	sadd.s32 s2, s9  }
0x159: {  	s3 =	simm.s32 @!p2 $0x320;
	[sflag:s0] =	ssyncset.done @!p2 $0x0;
	p1 =	sgt.u32 s2, $0x3E7  }
0x15a: {  	[sflag:s0] =	ssyncadd.s32 @!p2 $0xFFFF3800;
	s0 =	rddreg [dreg:$0x1a];
	s2 =	smul.u32 @!p1 $0x32, s2  }
.Ltmp6:
0x15b: {  	s0 =	sadd.s32 @!p2 s0, s1;
	s1 =	simm.s32 @!p2 $0x0;
	(pc) =	sbr.rel @p0 .LBB2_10-.Ltmp6, $4  }
0x15c: {  	[hbm4b:s0+s1] =	stream.linear.scatter @!p2 [tilespmem:s3], [sflag:$0x5], $0xC800, $0x38;
	[tilespmem:$0x19320] =	vst v63  }
0x15d: {  	s0 =	rddreg [dreg:$0x0]  }
0x15e: {  	s1 =	simm.s32 @!p1 $0x0;
	s0 =	sadd.s32 @!p1 s0, s2  }
0x15f: {  	[tilespmem:s1], [sflag:$0x1] =	stream.linear.gather @!p1 [hbm4b:s0+s1], $0x190, $0x38;
	[tilespmem:$0x19320] =	vst v63  }
0x160: {  	s0 =	simm.s32 $0x2  }
0x161: {  	v3 =	vor.u32 s5, v0;
	_ =	swait.ge [sflag:s0], $0x190  }
0x162: {  	(v2sf) =	vpush v3, $0x4  }
0x163: {  	(v2sf) =	vpush v3, $0x3;
	_ =	sdelay $0x1  }
0x164: {  	(v2sf) =	vpush v3, $0xC  }
0x165: {  	(v2sf) =	vpush v3, $0x0;
	_ =	sdelay $0x1  }
0x166: {  	(v2sf) =	vpush v3, $0x2  }
0x167: {  	(v2sf) =	vpush v3, $0x7;
	_ =	sdelay $0x1  }
0x168: {  	(v2sf) =	vpush v3, $0x9  }
0x169: {  	(v2sf) =	vpush v3, $0x1  }
0x16a: {  	(v2sf) =	vpush v3, $0x5;
	_ =	sdelay $0x1  }
0x16b: {  	(v2sf) =	vpush v3, $0x8  }
0x16c: {  	(v2sf) =	vpush v3, $0xE  }
0x16d: {  	s2 =	spop (v2sf)  }
0x16e: {  	(v2sf) =	vpush v3, $0xD;
	s7 =	spop (v2sf);
	s13 =	smulhi.u32 $0x14F8B589, s2  }
0x16f: {  	(v2sf) =	vpush v3, $0xA;
	s2 =	sshra.s32 s2, $0x1F;
	s12 =	smulhi.u32 $0x14F8B589, s7  }
0x170: {  	(v2sf) =	vpush v3, $0xB;
	s17 =	spop (v2sf);
	s0 =	smul.u32 $0x14F8B589, s2  }
0x171: {  	(v2sf) =	vpush v3, $0xF;
	s1 =	spop (v2sf);
	s28 =	smulhi.u32 $0x14F8B589, s17  }
0x172: {  	s30 =	smulhi.u32 $0x14F8B589, s1;
	s1 =	sshra.s32 s1, $0x1F  }
0x173: {  	s9 =	spop (v2sf);
	s11 =	smul.u32 $0x14F8B589, s1  }
0x174: {  	s2 =	sadd.s32 $0x10, s5;
	s4 =	spop (v2sf);
	s1 =	smulhi.u32 $0x14F8B589, s9  }
0x175: {  	s14 =	sshra.s32 s7, $0x1F;
	[smem:$0x7C5] =	sst s2;
	s23 =	smulhi.u32 $0x14F8B589, s4  }
0x176: {  	s20 =	spop (v2sf);
	s6 =	sshra.s32 s4, $0x1F;
	s4 =	smul.u32 $0x14F8B589, s14  }
0x177: {  	s19 =	sshra.s32 s9, $0x1F;
	s21 =	spop (v2sf);
	s24 =	smul.u32 $0x14F8B589, s6  }
0x178: {  	s19 =	smul.u32 $0x14F8B589, s19;
	s25 =	spop (v2sf)  }
0x179: {  	[smem:$0x7AD] =	sst s24;
	s26 =	smulhi.u32 $0x14F8B589, s25;
	s10 =	sshra.s32 s25, $0x1F  }
0x17a: {  	s15 =	spop (v2sf);
	s7 =	smul.u32 $0x14F8B589, s10  }
0x17b: {  	s22 =	spop (v2sf);
	s8 =	smulhi.u32 $0x14F8B589, s15;
	s15 =	sshra.s32 s15, $0x1F  }
0x17c: {  	(v2sf) =	vpush v3, $0x6;
	s6 =	sshra.s32 s17, $0x1F;
	[smem:$0x7AE] =	sst s26;
	s9 =	smul.u32 $0x14F8B589, s15  }
0x17d: {  	s24 =	spop (v2sf);
	s26 =	smul.u32 $0x14F8B589, s6  }
0x17e: {  	s16 =	smulhi.u32 $0x14F8B589, s22;
	s22 =	sshra.s32 s22, $0x1F;
	s25 =	spop (v2sf)  }
0x17f: {  	v3 =	vor.u32 s2, v0;
	s29 =	smul.u32 $0x14F8B589, s22;
	s3 =	spop (v2sf)  }
0x180: {  	s22 =	smulhi.u32 $0x14F8B589, s20;
	s18 =	spop (v2sf);
	(v2sf) =	vpush v3, $0x4  }
0x181: {  	[smem:$0x7AF] =	sst s1;
	s6 =	smulhi.u32 $0x14F8B589, s25;
	(v2sf) =	vpush v3, $0x3  }
0x182: {  	[smem:$0x7B0] =	sst s16;
	s16 =	smulhi.u32 $0x14F8B589, s24;
	(v2sf) =	vpush v3, $0xC  }
0x183: {  	[smem:$0x7AC] =	sst s23;
	s20 =	sshra.s32 s20, $0x1F;
	s14 =	smulhi.u32 $0x14F8B589, s3;
	(v2sf) =	vpush v3, $0x0  }
0x184: {  	s15 =	sshra.s32 s25, $0x1F;
	s10 =	sshra.s32 s3, $0x1F;
	s3 =	smul.u32 $0x14F8B589, s20;
	(v2sf) =	vpush v3, $0x2  }
0x185: {  	[smem:$0x7B3] =	sst s22;
	s31 =	smul.u32 $0x14F8B589, s15;
	(v2sf) =	vpush v3, $0x7  }
0x186: {  	s23 =	smul.u32 $0x14F8B589, s10;
	[smem:$0x7B5] =	sst s6;
	(v2sf) =	vpush v3, $0x9  }
0x187: {  	[smem:$0x7B7] =	sst s16;
	s5 =	smulhi.u32 $0x14F8B589, s18;
	s18 =	sshra.s32 s18, $0x1F  }
0x188: {  	[smem:$0x7B4] =	sst s3;
	s10 =	smul.u32 $0x14F8B589, s18  }
0x189: {  	s23 =	sadd.s32 s23, s14;
	s14 =	sadd.s32 s9, s8;
	s8 =	sld [smem:$0x7B5]  }
0x18a: {  	s18 =	smulhi.u32 $0x14F8B589, s21;
	s21 =	sshra.s32 s21, $0x1F;
	[smem:$0x7B6] =	sst s5;
	(v2sf) =	vpush v3, $0x1  }
0x18b: {  	s2 =	smul.u32 $0x14F8B589, s21;
	s5 =	spop (v2sf)  }
0x18c: {  	[smem:$0x7B1] =	sst s18;
	s18 =	sshra.s32 s24, $0x1F;
	s22 =	smulhi.u32 $0x14F8B589, s5  }
0x18d: {  	[smem:$0x7BF] =	sst s23;
	s21 =	sshra.s32 s5, $0x1F;
	s20 =	smul.u32 $0x14F8B589, s18;
	(v2sf) =	vpush v3, $0x5  }
0x18e: {  	[smem:$0x7B2] =	sst s2;
	s16 =	smul.u32 $0x14F8B589, s21  }
0x18f: {  	s9 =	sld [smem:$0x7B1];
	(v2sf) =	vpush v3, $0x8;
	s2 =	spop (v2sf)  }
0x190: {  	[smem:$0x7B9] =	sst s22;
	s3 =	spop (v2sf)  }
0x191: {  	s22 =	sld [smem:$0x7AC];
	s18 =	spop (v2sf)  }
0x192: {  	[smem:$0x7B8] =	sst s20;
	(v2sf) =	vpush v3, $0xE;
	s24 =	spop (v2sf)  }
0x193: {  	(v2sf) =	vpush v3, $0xD;
	s1 =	spop (v2sf);
	s25 =	smulhi.u32 $0x14F8B589, s24  }
0x194: {  	s5 =	sshra.s32 s24, $0x1F;
	s24 =	sld [smem:$0x7AD];
	s6 =	spop (v2sf)  }
0x195: {  	s17 =	sadd.s32 s11, s30;
	[smem:$0x7BA] =	sst s25;
	s11 =	spop (v2sf)  }
0x196: {  	s28 =	sadd.s32 s26, s28;
	(v2sf) =	vpush v3, $0xA;
	s26 =	smulhi.u32 $0x14F8B589, s3;
	[smem:$0x7C0] =	sst s11  }
0x197: {  	s20 =	smulhi.u32 $0x14F8B589, s6;
	s11 =	sld [smem:$0x7AE]  }
0x198: {  	s30 =	smul.u32 $0x14F8B589, s5;
	s5 =	sadd.s32 s24, s22;
	s22 =	sld [smem:$0x7AF]  }
0x199: {  	s15 =	sshra.s32 s6, $0x1F;
	s21 =	spop (v2sf);
	[smem:$0x7BB] =	sst s20  }
0x19a: {  	(v2sf) =	vpush v3, $0xB;
	s25 =	smul.u32 $0x14F8B589, s15;
	[smem:$0x7C1] =	sst s21  }
0x19b: {  	s3 =	sshra.s32 s3, $0x1F;
	s24 =	smulhi.u32 $0x14F8B589, s2;
	[smem:$0x7BE] =	sst s5  }
0x19c: {  	s2 =	sshra.s32 s2, $0x1F;
	s6 =	spop (v2sf);
	[smem:$0x7BC] =	sst s25  }
0x19d: {  	s25 =	sadd.s32 s0, s13;
	s13 =	smulhi.u32 $0x14F8B589, s6;
	s15 =	sshra.s32 s6, $0x1F  }
0x19e: {  	s23 =	spop (v2sf);
	s20 =	sadd.s32 s19, s22;
	s22 =	smul.u32 $0x14F8B589, s15  }
0x19f: {  	s5 =	sadd.s32 s7, s11;
	s15 =	smul.u32 $0x14F8B589, s2;
	s7 =	sld [smem:$0x7B0]  }
0x1a0: {  	s11 =	smul.u32 $0x14F8B589, s3;
	s3 =	sld [smem:$0x7B3]  }
0x1a1: {  	s19 =	spop (v2sf);
	[smem:$0x7BD] =	sst s13  }
0x1a2: {  	s2 =	spop (v2sf);
	s13 =	sld [smem:$0x7B2]  }
0x1a3: {  	s21 =	sadd.s32 s4, s12;
	[smem:$0x7C4] =	sst s2  }
0x1a4: {  	s12 =	smulhi.u32 $0x14F8B589, s1;
	s4 =	sshra.s32 s1, $0x1F;
	s2 =	sld [smem:$0x7B7]  }
0x1a5: {  	s6 =	spop (v2sf);
	s1 =	sadd.s32 s13, s9;
	s13 =	sld [smem:$0x7B6]  }
0x1a6: {  	s31 =	sadd.s32 s31, s8;
	s24 =	sadd.s32 s15, s24;
	[smem:$0x7C3] =	sst s6  }
0x1a7: {  	s29 =	sadd.s32 s29, s7;
	s7 =	smul.u32 $0x14F8B589, s4;
	s4 =	sld [smem:$0x7B4]  }
0x1a8: {  	s26 =	sadd.s32 s11, s26;
	s13 =	sadd.s32 s10, s13;
	s10 =	sld [smem:$0x7B8]  }
0x1a9: {  	s9 =	smulhi.u32 $0x14F8B589, s23;
	s23 =	sshra.s32 s23, $0x1F;
	s0 =	spop (v2sf)  }
0x1aa: {  	s6 =	smulhi.u32 $0x14F8B589, s0;
	s4 =	sadd.s32 s4, s3;
	s0 =	sshra.s32 s0, $0x1F  }
0x1ab: {  	s3 =	smul.u32 $0x14F8B589, s0;
	s10 =	sadd.s32 s10, s2;
	s2 =	sld [smem:$0x7B9]  }
0x1ac: {  	s15 =	sshra.s32 s19, $0x1F;
	[dreg:$0xe] =	wrdreg s26;
	s8 =	smul.u32 $0x14F8B589, s23  }
0x1ad: {  	s23 =	sshra.s32 s18, $0x1F;
	s0 =	sld [smem:$0x7BB];
	s3 =	sadd.s32 s3, s6  }
0x1ae: {  	s16 =	sadd.s32 s16, s2;
	s2 =	smul.u32 $0x14F8B589, s23;
	s23 =	sld [smem:$0x7BA]  }
0x1af: {  	s15 =	smul.u32 $0x14F8B589, s15;
	[dreg:$0xd] =	wrdreg s3  }
0x1b0: {  	s11 =	sshra.s32 s28, $0xC;
	s18 =	smulhi.u32 $0x14F8B589, s18;
	s3 =	sld [smem:$0x7BE]  }
0x1b1: {  	s12 =	sadd.s32 s7, s12;
	s30 =	sadd.s32 s30, s23;
	s23 =	sld [smem:$0x7BC]  }
0x1b2: {  	s6 =	sadd.s32 s2, s18;
	s18 =	simm.s32 $0x2;
	s2 =	sshrl.u32 s17, $0x1F  }
0x1b3: {  	v6 =	vmov s11;
	s11 =	sshra.s32 s10, $0xC;
	[sflag:s18] =	ssyncset.done $0x0;
	v5 =	vmov s2;
	s2 =	sshrl.u32 s31, $0x1F  }
0x1b4: {  	[sflag:s18] =	ssyncadd.s32 $0xFFFFFE70;
	s0 =	sadd.s32 s23, s0;
	s23 =	sld [smem:$0x7BD]  }
0x1b5: {  	[dreg:$0xb] =	wrdreg s0;
	s0 =	smulhi.u32 $0x14F8B589, s19;
	s19 =	sshra.s32 s5, $0x1F  }
0x1b6: {  	(v2sf) =	vpush v3, $0xF;
	s18 =	sshrl.u32 s4, $0x1F;
	s4 =	sshra.s32 s4, $0xC;
	[smem:$0x7C2] =	sst s19  }
0x1b7: {  	s19 =	sshra.s32 s20, $0x1F;
	s22 =	sadd.s32 s22, s23;
	s7 =	sadd.s32 s15, s0  }
0x1b8: {  	s15 =	sadd.s32 s8, s9;
	s8 =	sshra.s32 s17, $0xC;
	s9 =	sshra.s32 s17, $0x1F  }
0x1b9: {  	s23 =	sshrl.u32 s5, $0x1F;
	s17 =	sshra.s32 s5, $0xC;
	s0 =	sshra.s32 s3, $0x1F  }
0x1ba: {  	s5 =	sshrl.u32 s28, $0x1F;
	s28 =	sshra.s32 s20, $0xC;
	s20 =	sshrl.u32 s20, $0x1F;
	v4 =	vmov s0  }
0x1bb: {  	vm10 =	vcmask $0x704;
	s0 =	sshra.s32 s1, $0xC;
	v7 =	vmov s5;
	s5 =	sshrl.u32 s13, $0x1F;
	v4 =	vsel vm4, s8, v4;
	s8 =	sshra.s32 s1, $0x1F  }
0x1bc: {  	v5 =	vnsel vm4, $0x0, v5;
	s1 =	sshrl.u32 s1, $0x1F;
	v4 =	vsel vm10, s9, v4;
	s9 =	sshra.s32 s14, $0xC;
	s14 =	sshrl.u32 s14, $0x1F  }
0x1bd: {  	v5 =	vsel vm0, s1, v5;
	s1 =	sshra.s32 s31, $0xC;
	s31 =	sshra.s32 s30, $0x1F;
	v4 =	vsel vm0, s0, v4;
	s0 =	sshrl.u32 s10, $0x1F  }
0x1be: {  	vm3 =	vcmask $0xF0C;
	s10 =	sshra.s32 s13, $0xC;
	v8 =	vmov s9;
	s9 =	sshra.s32 s21, $0xC;
	s13 =	sshra.s32 s21, $0x1F  }
0x1bf: {  	(v2sf) =	vpush v3, $0x6;
	v9 =	vmov s14;
	s14 =	sshrl.u32 s21, $0x1F;
	v3 =	vsel vm1, s20, v5;
	s21 =	sld [smem:$0x7BF];
	s20 =	sshra.s32 s16, $0x1F  }
0x1c0: {  	v4 =	vsel vm3, s8, v4;
	s8 =	sshrl.u32 s29, $0x1F;
	v8 =	vsel vm0, s4, v8;
	s4 =	sshra.s32 s29, $0xC;
	v9 =	vsel vm0, s18, v9;
	s18 =	sshra.s32 s25, $0xC  }
0x1c1: {  	v5 =	vsel vm0, s0, v7;
	s0 =	sshra.s32 s25, $0x1F;
	v3 =	vsel vm2, s14, v3;
	s14 =	sshra.s32 s3, $0xC;
	s29 =	simm.s32 $0xCB20;
	v4 =	vsel vm1, s28, v4  }
0x1c2: {  	v7 =	vsel vm1, s2, v9;
	s2 =	sshrl.u32 s16, $0x1F;
	v5 =	vsel vm1, s8, v5;
	s8 =	simm.s32 $0x0;
	v4 =	vsel vm11, s19, v4;
	s19 =	sshrl.u32 s25, $0x1F  }
0x1c3: {  	s25 =	sshrl.u32 s21, $0x1F;
	v4 =	vsel vm2, s9, v4;
	s9 =	sshra.s32 s16, $0xC;
	s16 =	sld [smem:$0x7C0];
	v3 =	vsel vm5, s19, v3  }
0x1c4: {  	v6 =	vsel vm0, s11, v6;
	s11 =	sshra.s32 s21, $0xC;
	v7 =	vsel vm2, s25, v7;
	s25 =	sld [smem:$0x7C1];
	v3 =	vsel vm6, s23, v3;
	s23 =	simm.s32 $0x40  }
0x1c5: {  	v4 =	vsel vm12, s13, v4;
	s13 =	sshrl.u32 s3, $0x1F;
	s3 =	spop (v2sf);
	[dreg:$0x10] =	wrdreg s23  }
0x1c6: {  	v6 =	vsel vm1, s4, v6;
	v4 =	vsel vm5, s18, v4;
	s4 =	smulhi.u32 $0x14F8B589, s3;
	s18 =	sshra.s32 s3, $0x1F;
	s23 =	sld [smem:$0x7C5]  }
0x1c7: {  	v8 =	vsel vm1, s1, v8;
	v6 =	vsel vm2, s10, v6;
	s21 =	smulhi.u32 $0x14F8B589, s16;
	s1 =	sshra.s32 s16, $0x1F;
	s10 =	sshra.s32 s25, $0x1F  }
0x1c8: {  	s16 =	smulhi.u32 $0x14F8B589, s25;
	v4 =	vsel vm13, s0, v4;
	s25 =	sshrl.u32 s30, $0x1F;
	s0 =	sshra.s32 s30, $0xC  }
0x1c9: {  	s28 =	smul.u32 $0x14F8B589, s18;
	s18 =	sshrl.u32 s22, $0x1F;
	v4 =	vsel vm6, s17, v4;
	s17 =	sld [smem:$0x7C2]  }
0x1ca: {  	v3 =	vsel vm7, s2, v3;
	s19 =	smul.u32 $0x14F8B589, s10;
	[dreg:$0x12] =	wrdreg s18;
	s10 =	sshra.s32 s22, $0x1F  }
0x1cb: {  	vm10 =	vcmask $0x3734;
	v8 =	vsel vm2, s11, v8;
	v3 =	vsel vm9, s13, v3;
	s13 =	sshra.s32 s22, $0xC;
	s30 =	sshra.s32 s6, $0xC;
	[dreg:$0x14] =	wrdreg s10  }
0x1cc: {  	v5 =	vsel vm2, s5, v5;
	v6 =	vcombine.low v8, v6;
	s1 =	smul.u32 $0x14F8B589, s1;
	v4 =	vsel vm14, s17, v4;
	s17 =	sadd.s32 s19, s16;
	s19 =	sld [smem:$0x7C4]  }
0x1cd: {  	v5 =	vcombine.low v7, v5;
	s18 =	sshrl.u32 s6, $0x1F;
	v8 =	vmov s25;
	s25 =	simm.s32 $0xDB20;
	v4 =	vsel vm7, s9, v4;
	s9 =	sld [smem:$0x7C3]  }
0x1ce: {  	s6 =	sshra.s32 s12, $0x1F;
	[dreg:$0x7] =	wrdreg s25;
	s16 =	sadd.s32 $0x10, s23;
	v4 =	vsel vm10, s20, v4  }
0x1cf: {  	v5 =	vperm.xlane v5, v1;
	v3 =	vperm.xlane v3, v2;
	s23 =	sshra.s32 s26, $0x1F;
	v4 =	vsel vm9, s14, v4;
	s20 =	sshra.s32 s19, $0x1F;
	s19 =	smulhi.u32 $0x14F8B589, s19  }
0x1d0: {  	v6 =	vperm.xlane v6, v1;
	[dreg:$0x18] =	wrdreg s23;
	s5 =	sshra.s32 s17, $0x1F;
	s3 =	smulhi.u32 $0x14F8B589, s9;
	v4 =	vperm.xlane v4, v2  }
0x1d1: {  	v7 =	vld [tilespmem:s8+$0x190];
	v5 =	vsel vm15, v3, v5;
	v3 =	vor.u32 s16, v0;
	s14 =	sadd.s32 s1, s21;
	s11 =	sshra.s32 s9, $0x1F;
	s22 =	smul.u32 $0x14F8B589, s20  }
0x1d2: {  	(v2sf) =	vpush v3, $0x4;
	s21 =	simm.s32 $0xD320;
	s1 =	smul.u32 $0x14F8B589, s11;
	s11 =	rddreg [dreg:$0xb];
	v4 =	vsel vm15, v4, v6  }
0x1d3: {  	vm3 =	vmmov vm10;
	(v2sf) =	vpush v3, $0x3;
	s20 =	simm.s32 $0x80;
	[dreg:$0x5] =	wrdreg s21;
	s2 =	sshra.s32 s11, $0x1F;
	v4 =	vadd.s32 v5, v4  }
0x1d4: {  	s9 =	simm.s32 $0xC0;
	(v2sf) =	vpush v3, $0xC;
	[dreg:$0x9] =	wrdreg s20;
	s11 =	sshra.s32 s26, $0xC;
	v6 =	vmov s2;
	v4 =	vmul.u32 $0xC350, v4  }
0x1d5: {  	vm10 =	vcmask $0x704;
	s26 =	smov.u32 s24;
	s24 =	sshra.s32 s24, $0xC;
	v5 =	vsel vm4, s0, v6;
	s0 =	spop (v2sf);
	(v2sf) =	vpush v3, $0x0  }
0x1d6: {  	[dreg:$0x16] =	wrdreg s24;
	v5 =	vsel vm10, s31, v5;
	s20 =	sshra.s32 s0, $0x1F;
	s31 =	sshra.s32 s12, $0xC;
	v6 =	vadd.s32 v7, v4;
	v4 =	vnsel vm4, $0x0, v8  }
.LBB2_8:
0x1d7: {  	s25 =	sshrl.u32 s14, $0x1F;
	s10 =	sshra.s32 s14, $0xC;
	s14 =	smov.u32 s9  }
0x1d8: {  	s28 =	sadd.s32 s28, s4;
	s23 =	sshra.s32 s17, $0xC;
	s12 =	sshrl.u32 s12, $0x1F  }
0x1d9: {  	v7 =	vmov s30;
	s30 =	sshra.s32 s15, $0xC;
	s21 =	sshrl.u32 s17, $0x1F;
	s0 =	smulhi.u32 $0x14F8B589, s0  }
0x1da: {  	s24 =	rddreg [dreg:$0x3];
	s8 =	simm.s32 $0x0;
	p0 =	sne.s32 s9, $0x600  }
0x1db: {  	s9 =	sadd.s32 $0x40, s9;
	s17 =	rddreg [dreg:$0xe];
	s16 =	sadd.s32 $0x10, s16  }
0x1dc: {  	(v2sf) =	vpush v3, $0x2;
	s3 =	sadd.s32 s1, s3;
	s1 =	sshrl.u32 s7, $0x1F;
	s19 =	sadd.s32 s22, s19  }
0x1dd: {  	[tilespmem:s29], [sflag:$0x4] =	stream.indirect_vreg.gather [hbm4b:s24+s8], $0x80, v6, vm8, $0xb8;
	[tilespmem:$0x19320] =	vst v63  }
0x1de: {  	v8 =	vmov s18;
	(v2sf) =	vpush v3, $0x7;
	s22 =	sshrl.u32 s15, $0x1F;
	v4 =	vsel vm0, s21, v4;
	s8 =	sshrl.u32 s26, $0x1F;
	s21 =	smul.u32 $0x14F8B589, s20  }
0x1df: {  	vm10 =	vcmask $0xF0C;
	v5 =	vsel vm0, s23, v5;
	s15 =	sshra.s32 s7, $0xC;
	(v2sf) =	vpush v3, $0x9;
	s18 =	sshra.s32 s3, $0xC;
	s2 =	sshrl.u32 s19, $0x1F  }
0x1e0: {  	v9 =	vmov s30;
	s23 =	sshra.s32 s19, $0xC;
	v6 =	vmov s22;
	s22 =	sshra.s32 s28, $0xC;
	v8 =	vsel vm0, s2, v8;
	s2 =	rddreg [dreg:$0x10]  }
0x1e1: {  	v5 =	vsel vm10, s5, v5;
	s3 =	sshrl.u32 s3, $0x1F;
	s19 =	sshra.s32 s26, $0x1F;
	(v2sf) =	vpush v3, $0x1;
	v7 =	vsel vm0, s23, v7;
	s23 =	rddreg [dreg:$0xd]  }
0x1e2: {  	v4 =	vsel vm1, s12, v4;
	v6 =	vsel vm0, s25, v6;
	s0 =	sadd.s32 s21, s0;
	s25 =	rddreg [dreg:$0xb];
	(v2sf) =	vpush v3, $0x5;
	s12 =	sshra.s32 s2, $0x2  }
0x1e3: {  	v9 =	vsel vm0, s10, v9;
	v6 =	vsel vm1, s3, v6;
	s24 =	sshrl.u32 s23, $0x1F;
	s10 =	sshrl.u32 s25, $0x1F;
	s3 =	sshrl.u32 s17, $0x1F;
	v7 =	vsel vm1, s15, v7  }
0x1e4: {  	v5 =	vsel vm1, s31, v5;
	s20 =	sshrl.u32 s0, $0x1F;
	(v2sf) =	vpush v3, $0x8;
	v7 =	vsel vm2, s22, v7;
	s22 =	sshra.s32 s23, $0xC;
	s23 =	rddreg [dreg:$0x18]  }
0x1e5: {  	v9 =	vsel vm1, s18, v9;
	v5 =	vsel vm11, s6, v5;
	s18 =	sshra.s32 s0, $0xC;
	v6 =	vsel vm2, s24, v6;
	s24 =	rddreg [dreg:$0x16];
	s15 =	spop (v2sf)  }
0x1e6: {  	v5 =	vsel vm2, s11, v5;
	s11 =	sshra.s32 s0, $0x1F;
	(v2sf) =	vpush v3, $0xE;
	s21 =	spop (v2sf);
	s2 =	smulhi.u32 $0x14F8B589, s15  }
0x1e7: {  	v8 =	vsel vm1, s1, v8;
	v4 =	vsel vm2, s3, v4;
	v5 =	vsel vm12, s23, v5;
	s23 =	rddreg [dreg:$0x14];
	s0 =	smulhi.u32 $0x14F8B589, s21;
	s1 =	sshra.s32 s21, $0x1F  }
0x1e8: {  	v4 =	vsel vm5, s8, v4;
	s8 =	sshra.s32 s25, $0xC;
	(v2sf) =	vpush v3, $0xD;
	s3 =	spop (v2sf);
	s1 =	smul.u32 $0x14F8B589, s1  }
0x1e9: {  	(v2sf) =	vpush v3, $0xA;
	s6 =	sshra.s32 s3, $0x1F;
	s25 =	spop (v2sf);
	s3 =	smulhi.u32 $0x14F8B589, s3  }
0x1ea: {  	v5 =	vsel vm5, s24, v5;
	(v2sf) =	vpush v3, $0xB;
	s21 =	rddreg [dreg:$0x12];
	s26 =	smulhi.u32 $0x14F8B589, s25;
	s5 =	sshra.s32 s25, $0x1F  }
0x1eb: {  	s4 =	sshrl.u32 s28, $0x1F;
	v5 =	vsel vm13, s19, v5;
	v4 =	vsel vm6, s21, v4;
	s19 =	spop (v2sf);
	s5 =	smul.u32 $0x14F8B589, s5  }
0x1ec: {  	v4 =	vsel vm7, s20, v4;
	s20 =	sshra.s32 s15, $0x1F;
	s7 =	sshra.s32 s19, $0x1F;
	s19 =	smulhi.u32 $0x14F8B589, s19  }
0x1ed: {  	v9 =	vsel vm2, s22, v9;
	s22 =	spop (v2sf);
	s20 =	smul.u32 $0x14F8B589, s20;
	s1 =	sadd.s32 s1, s0  }
0x1ee: {  	v8 =	vsel vm2, s4, v8;
	s24 =	sshra.s32 s22, $0x1F;
	s25 =	spop (v2sf);
	s21 =	smulhi.u32 $0x14F8B589, s22  }
0x1ef: {  	v6 =	vcombine.low v6, v8;
	v5 =	vsel vm6, s13, v5;
	s7 =	smul.u32 $0x14F8B589, s7;
	[dreg:$0xe] =	wrdreg s1;
	s4 =	sadd.s32 s5, s26  }
0x1f0: {  	v7 =	vcombine.low v9, v7;
	v5 =	vsel vm14, s23, v5;
	(v2sf) =	vpush v3, $0xF;
	s26 =	spop (v2sf);
	s5 =	smulhi.u32 $0x14F8B589, s25;
	s15 =	sshra.s32 s25, $0x1F  }
0x1f1: {  	v6 =	vperm.xlane v6, v1;
	v5 =	vsel vm7, s18, v5;
	s23 =	smul.u32 $0x14F8B589, s24;
	s22 =	sshrl.u32 s4, $0x1F;
	s24 =	spop (v2sf)  }
0x1f2: {  	v63 =	vld [tilespmem:s12+$0x190];
	v7 =	vperm.xlane v7, v1;
	v5 =	vsel vm3, s11, v5;
	v4 =	vsel vm9, s10, v4;
	s17 =	sshra.s32 s26, $0x1F;
	s12 =	sshra.s32 s4, $0xC;
	s18 =	smulhi.u32 $0x14F8B589, s24  }
0x1f3: {  	(v2sf) =	vpush v3, $0x6;
	v3 =	vsel vm9, s8, v5;
	v8 =	vmov s22;
	s11 =	sshra.s32 s24, $0x1F;
	s25 =	spop (v2sf);
	s22 =	smulhi.u32 $0x14F8B589, s26  }
0x1f4: {  	v4 =	vperm.xlane v4, v2;
	v3 =	vperm.xlane v3, v2;
	s21 =	sadd.s32 s23, s21;
	s23 =	sshra.s32 s4, $0x1F;
	s17 =	smul.u32 $0x14F8B589, s17  }
0x1f5: {  	s8 =	spop (v2sf);
	s10 =	sshra.s32 s25, $0x1F;
	s11 =	smul.u32 $0x14F8B589, s11  }
0x1f6: {  	v4 =	vsel vm15, v4, v6;
	v3 =	vsel vm15, v3, v7;
	s25 =	smulhi.u32 $0x14F8B589, s25;
	[dreg:$0xb] =	wrdreg s21;
	s26 =	sshra.s32 s21, $0x1F  }
0x1f7: {  	s21 =	rddreg [dreg:$0x9];
	s13 =	spop (v2sf);
	v3 =	vadd.s32 v4, v3;
	s31 =	sshra.s32 s8, $0x1F  }
0x1f8: {  	v4 =	vmov s26;
	s26 =	smov.u32 s21;
	s8 =	smulhi.u32 $0x14F8B589, s8;
	s30 =	spop (v2sf);
	v3 =	vmul.u32 $0xC350, v3  }
0x1f9: {  	s17 =	sadd.s32 s17, s22;
	[dreg:$0x10] =	wrdreg s26;
	s24 =	spop (v2sf)  }
0x1fa: {  	s28 =	sshra.s32 s24, $0x1F;
	v6 =	vadd.s32 v63, v3;
	v3 =	vsel vm4, s12, v4;
	s29 =	smulhi.u32 $0x14F8B589, s24;
	s12 =	sadd.s32 s20, s2  }
0x1fb: {  	vm10 =	vcmask $0x704;
	s24 =	sadd.s32 s11, s18;
	s11 =	sshra.s32 s1, $0xC;
	s1 =	sshra.s32 s1, $0x1F  }
0x1fc: {  	s26 =	sshrl.u32 s24, $0x1F;
	[dreg:$0x18] =	wrdreg s1;
	v5 =	vsel vm10, s23, v3;
	s23 =	sshra.s32 s13, $0x1F  }
0x1fd: {  	s1 =	smul.u32 $0x14F8B589, s10;
	s10 =	smov.u32 s14;
	[dreg:$0x12] =	wrdreg s26  }
0x1fe: {  	s26 =	smov.u32 s12;
	[dreg:$0x9] =	wrdreg s10;
	s10 =	smul.u32 $0x14F8B589, s31  }
0x1ff: {  	s12 =	sshra.s32 s12, $0xC;
	s22 =	smul.u32 $0x14F8B589, s23;
	s20 =	spop (v2sf)  }
0x200: {  	[dreg:$0x16] =	wrdreg s12;
	s12 =	sadd.s32 s7, s19;
	s19 =	smul.u32 $0x14F8B589, s6  }
0x201: {  	s21 =	sshra.s32 s30, $0x1F;
	s2 =	rddreg [dreg:$0x7];
	s4 =	smulhi.u32 $0x14F8B589, s20  }
0x202: {  	s14 =	rddreg [dreg:$0x5];
	s18 =	sshra.s32 s20, $0x1F;
	s20 =	smul.u32 $0x14F8B589, s28  }
0x203: {  	s6 =	sshra.s32 s12, $0x1F;
	s7 =	sadd.s32 s10, s8;
	s28 =	smul.u32 $0x14F8B589, s18  }
0x204: {  	s18 =	sadd.s32 s20, s29;
	s29 =	smov.u32 s14;
	s14 =	sadd.s32 s19, s3  }
0x205: {  	s3 =	smulhi.u32 $0x14F8B589, s30;
	s19 =	sshra.s32 s24, $0x1F;
	[dreg:$0xd] =	wrdreg s18  }
0x206: {  	s31 =	sshra.s32 s12, $0xC;
	[dreg:$0x14] =	wrdreg s19;
	s19 =	smulhi.u32 $0x14F8B589, s13  }
.Ltmp7:
0x207: {  	v3 =	vor.u32 s16, v0;
	s18 =	smov.u32 s2;
	s13 =	sshra.s32 s24, $0xC;
	(pc) =	sbr.rel @p0 .LBB2_8-.Ltmp7, $4  }
0x208: {  	s30 =	sshra.s32 s14, $0xC;
	s24 =	smul.u32 $0x14F8B589, s15;
	s0 =	spop (v2sf);
	(v2sf) =	vpush v3, $0x4  }
0x209: {  	s2 =	sadd.s32 $0x800, s2;
	s15 =	sadd.s32 s1, s25;
	[dreg:$0x5] =	wrdreg s18;
	(v2sf) =	vpush v3, $0x3  }
0x20a: {  	s1 =	smul.u32 $0x14F8B589, s21;
	s18 =	sshrl.u32 s14, $0x1F;
	[dreg:$0x7] =	wrdreg s2;
	(v2sf) =	vpush v3, $0xC  }
0x20b: {  	v4 =	vnsel vm4, $0x0, v8;
	s20 =	sshra.s32 s0, $0x1F;
	s14 =	sadd.s32 s24, s5;
	s5 =	sshra.s32 s17, $0x1F;
	(v2sf) =	vpush v3, $0x0  }
0x20c: {  	(v2sf) =	vpush v3, $0x2;
	_ =	sdelay $0x1  }
0x20d: {  	(v2sf) =	vpush v3, $0x7  }
0x20e: {  	(v2sf) =	vpush v3, $0x9;
	_ =	sdelay $0x1  }
0x20f: {  	(v2sf) =	vpush v3, $0x1;
	_ =	sdelay $0x1  }
0x210: {  	(v2sf) =	vpush v3, $0x5;
	_ =	sdelay $0x1  }
0x211: {  	s2 =	rddreg [dreg:$0x3];
	s8 =	simm.s32 $0x0  }
0x212: {  	[tilespmem:s29], [sflag:$0x4] =	stream.indirect_vreg.gather [hbm4b:s2+s8], $0x80, v6, vm8, $0xb8;
	(v2sf) =	vpush v3, $0x8;
	[tilespmem:$0x19320] =	vst v63  }
0x213: {  	s9 =	smul.u32 $0x14F8B589, s20;
	(v2sf) =	vpush v3, $0xE;
	s8 =	spop (v2sf)  }
0x214: {  	s2 =	smulhi.u32 $0x14F8B589, s0;
	(v2sf) =	vpush v3, $0xD;
	s10 =	spop (v2sf)  }
0x215: {  	[smem:$0x79B] =	sst s9;
	(v2sf) =	vpush v3, $0xA;
	s21 =	spop (v2sf)  }
0x216: {  	s9 =	smulhi.u32 $0x14F8B589, s10;
	s16 =	spop (v2sf)  }
0x217: {  	s23 =	spop (v2sf);
	s20 =	smulhi.u32 $0x14F8B589, s16;
	s0 =	sshra.s32 s16, $0x1F  }
0x218: {  	[smem:$0x7A3] =	sst s9;
	s0 =	smul.u32 $0x14F8B589, s0  }
0x219: {  	s25 =	spop (v2sf);
	[smem:$0x79C] =	sst s20  }
0x21a: {  	(v2sf) =	vpush v3, $0xB;
	s24 =	spop (v2sf);
	[smem:$0x79D] =	sst s0  }
0x21b: {  	s29 =	sshra.s32 s25, $0x1F;
	s20 =	smulhi.u32 $0x14F8B589, s25;
	[smem:$0x7A6] =	sst s24  }
0x21c: {  	s16 =	spop (v2sf);
	s0 =	smul.u32 $0x14F8B589, s29  }
0x21d: {  	s29 =	smulhi.u32 $0x14F8B589, s8;
	[smem:$0x79E] =	sst s20  }
0x21e: {  	s19 =	sadd.s32 s22, s19;
	s24 =	spop (v2sf);
	s22 =	sld [smem:$0x79D]  }
0x21f: {  	s20 =	smulhi.u32 $0x14F8B589, s23;
	[smem:$0x79F] =	sst s0  }
0x220: {  	s8 =	sshra.s32 s8, $0x1F;
	s25 =	smulhi.u32 $0x14F8B589, s24;
	[smem:$0x7A0] =	sst s29  }
0x221: {  	s0 =	sshra.s32 s24, $0x1F;
	s29 =	smul.u32 $0x14F8B589, s8;
	s8 =	spop (v2sf)  }
0x222: {  	s0 =	smul.u32 $0x14F8B589, s0;
	s9 =	spop (v2sf)  }
0x223: {  	[smem:$0x7A4] =	sst s20;
	s24 =	spop (v2sf)  }
0x224: {  	[smem:$0x7A1] =	sst s25;
	s25 =	spop (v2sf)  }
0x225: {  	[smem:$0x7A7] =	sst s25;
	s25 =	smulhi.u32 $0x14F8B589, s8  }
0x226: {  	[smem:$0x7A2] =	sst s0  }
0x227: {  	s10 =	sshra.s32 s10, $0x1F;
	[smem:$0x7A5] =	sst s25  }
0x228: {  	s20 =	smul.u32 $0x14F8B589, s10;
	s25 =	sadd.s32 s1, s3;
	s1 =	sld [smem:$0x79B]  }
0x229: {  	[smem:$0x7A9] =	sst s24;
	s10 =	spop (v2sf);
	s3 =	sshra.s32 s8, $0x1F  }
0x22a: {  	s24 =	smulhi.u32 $0x14F8B589, s10;
	s0 =	sshra.s32 s10, $0x1F;
	s10 =	sadd.s32 s28, s4  }
0x22b: {  	s28 =	smul.u32 $0x14F8B589, s3;
	s3 =	sadd.s32 s1, s2;
	s2 =	sld [smem:$0x79C]  }
0x22c: {  	_ = 	snop  }
0x22d: {  	s1 =	sld [smem:$0x79E]  }
0x22e: {  	s22 =	sadd.s32 s22, s2;
	s2 =	sld [smem:$0x79F];
	_ =	sdelay $0x1  }
0x22f: {  	(v2sf) =	vpush v3, $0xF  }
0x230: {  	s8 =	smul.u32 $0x14F8B589, s0;
	s0 =	sadd.s32 s2, s1;
	s2 =	sld [smem:$0x7A0]  }
0x231: {  	v49 =	vmov s30;
	s30 =	sshrl.u32 s12, $0x1F;
	s12 =	sshrl.u32 s17, $0x1F;
	[smem:$0x7A8] =	sst s0  }
0x232: {  	s4 =	sshra.s32 s21, $0x1F;
	s0 =	smulhi.u32 $0x14F8B589, s21;
	s21 =	sld [smem:$0x7A1]  }
0x233: {  	s23 =	sshra.s32 s23, $0x1F;
	s1 =	sadd.s32 s29, s2;
	s29 =	sld [smem:$0x7A2]  }
0x234: {  	v7 =	vmov s18;
	v4 =	vsel vm0, s12, v4;
	s18 =	sshra.s32 s19, $0xC;
	s23 =	smul.u32 $0x14F8B589, s23;
	s2 =	sld [smem:$0x7A3]  }
0x235: {  	v4 =	vsel vm1, s30, v4;
	v6 =	vsel vm0, s18, v49;
	s18 =	rddreg [dreg:$0x18];
	s30 =	sshrl.u32 s25, $0x1F;
	s4 =	smul.u32 $0x14F8B589, s4  }
0x236: {  	s24 =	sadd.s32 s8, s24;
	[smem:$0x7AA] =	sst s1;
	s1 =	sadd.s32 s29, s21  }
0x237: {  	s29 =	smulhi.u32 $0x14F8B589, s9;
	s21 =	sadd.s32 s20, s2;
	s20 =	sld [smem:$0x7A4]  }
0x238: {  	s9 =	sshra.s32 s9, $0x1F;
	[smem:$0x7AB] =	sst s1;
	s1 =	smulhi.u32 $0x14F8B589, s16  }
0x239: {  	s12 =	sshrl.u32 s3, $0x1F;
	s16 =	sshra.s32 s16, $0x1F;
	s2 =	smul.u32 $0x14F8B589, s9  }
0x23a: {  	s9 =	sadd.s32 s4, s0;
	s0 =	sshrl.u32 s14, $0x1F;
	s4 =	sshrl.u32 s7, $0x1F  }
0x23b: {  	s8 =	smul.u32 $0x14F8B589, s16;
	s16 =	sld [smem:$0x7A5];
	s23 =	sadd.s32 s23, s20  }
0x23c: {  	s29 =	sadd.s32 s2, s29;
	s20 =	sshra.s32 s17, $0xC;
	s17 =	sshrl.u32 s15, $0x1F  }
0x23d: {  	s2 =	sshrl.u32 s19, $0x1F;
	s19 =	sshra.s32 s26, $0x1F;
	v5 =	vsel vm0, s20, v5;
	s20 =	sadd.s32 s8, s1  }
0x23e: {  	vm10 =	vcmask $0xF0C;
	s1 =	sshrl.u32 s10, $0x1F;
	s8 =	spop (v2sf);
	s16 =	sadd.s32 s28, s16  }
0x23f: {  	v9 =	vmov s17;
	s28 =	sshra.s32 s14, $0xC;
	v5 =	vsel vm10, s5, v5;
	s14 =	sshra.s32 s15, $0xC;
	s15 =	rddreg [dreg:$0xd]  }
0x240: {  	v9 =	vsel vm0, s0, v9;
	s5 =	sshra.s32 s9, $0xC;
	v8 =	vmov s14;
	v5 =	vsel vm1, s31, v5;
	s31 =	sshra.s32 s7, $0xC;
	s14 =	rddreg [dreg:$0xe]  }
0x241: {  	v50 =	vsel vm1, s30, v9;
	s17 =	sshrl.u32 s15, $0x1F;
	s30 =	rddreg [dreg:$0xb];
	v5 =	vsel vm11, s6, v5;
	s6 =	sshra.s32 s10, $0xC  }
0x242: {  	v8 =	vsel vm0, s28, v8;
	s28 =	sshra.s32 s25, $0xC;
	s0 =	sshrl.u32 s14, $0x1F;
	s25 =	rddreg [dreg:$0x16]  }
0x243: {  	(v2sf) =	vpush v3, $0x6;
	v3 =	vsel vm0, s2, v7;
	s10 =	sshrl.u32 s26, $0x1F;
	v6 =	vsel vm1, s31, v6;
	s26 =	sld [smem:$0x7A6];
	s31 =	sshrl.u32 s30, $0x1F  }
0x244: {  	v3 =	vsel vm1, s4, v3;
	v7 =	vsel vm2, s17, v50;
	s4 =	sshra.s32 s30, $0xC;
	s17 =	rddreg [dreg:$0x14];
	v5 =	vsel vm2, s11, v5;
	s11 =	sshra.s32 s3, $0x1F  }
0x245: {  	v4 =	vsel vm2, s0, v4;
	s0 =	sshra.s32 s3, $0xC;
	v8 =	vsel vm1, s28, v8;
	s28 =	sshra.s32 s15, $0xC;
	s15 =	rddreg [dreg:$0x12]  }
0x246: {  	v6 =	vsel vm2, s6, v6;
	s6 =	sld [smem:$0x7A9];
	v5 =	vsel vm12, s18, v5;
	v4 =	vsel vm5, s10, v4;
	s10 =	sshrl.u32 s9, $0x1F;
	s2 =	smulhi.u32 $0x14F8B589, s26  }
0x247: {  	v5 =	vsel vm5, s25, v5;
	s3 =	sshra.s32 s26, $0x1F;
	s25 =	smulhi.u32 $0x14F8B589, s8;
	s26 =	sshra.s32 s8, $0x1F  }
0x248: {  	v3 =	vsel vm2, s1, v3;
	v4 =	vsel vm6, s15, v4;
	s8 =	sshra.s32 s20, $0xC;
	v54 =	vmov s10;
	s15 =	sshra.s32 s23, $0x1F;
	s10 =	sld [smem:$0x7AA]  }
0x249: {  	v10 =	vmov s5;
	v5 =	vsel vm13, s19, v5;
	s3 =	smul.u32 $0x14F8B589, s3;
	s19 =	sshrl.u32 s22, $0x1F;
	v4 =	vsel vm7, s12, v4;
	s12 =	sld [smem:$0x7A8]  }
0x24a: {  	v3 =	vcombine.low v7, v3;
	v8 =	vsel vm2, s28, v8;
	s7 =	sshra.s32 s6, $0x1F;
	s5 =	smulhi.u32 $0x14F8B589, s6;
	v5 =	vsel vm6, s13, v5;
	s13 =	sld [smem:$0x7A7]  }
0x24b: {  	vm8 =	vcmask $0x704;
	v6 =	vcombine.low v8, v6;
	s6 =	sshra.s32 s29, $0xC;
	v5 =	vsel vm14, s17, v5;
	s2 =	sadd.s32 s3, s2;
	s3 =	smul.u32 $0x14F8B589, s7  }
0x24c: {  	v3 =	vperm.xlane v3, v1;
	v4 =	vsel vm9, s31, v4;
	s31 =	sshra.s32 s22, $0xC;
	v5 =	vsel vm7, s0, v5;
	s30 =	sshra.s32 s12, $0x1F;
	s0 =	smul.u32 $0x14F8B589, s26  }
0x24d: {  	v52 =	vmov s19;
	v6 =	vperm.xlane v6, v1;
	v4 =	vperm.xlane v4, v2;
	s17 =	sshra.s32 s2, $0xC;
	s2 =	sshrl.u32 s2, $0x1F;
	s18 =	sshra.s32 s13, $0x1F  }
0x24e: {  	v7 =	vnsel vm4, $0x0, v52;
	v5 =	vsel vm3, s11, v5;
	v51 =	vmov s30;
	s11 =	sshra.s32 s20, $0x1F;
	s3 =	sadd.s32 s3, s5;
	s28 =	smul.u32 $0x14F8B589, s18  }
0x24f: {  	v3 =	vsel vm15, v4, v3;
	v5 =	vsel vm9, s4, v5;
	v9 =	vsel vm4, s31, v51;
	s4 =	sshra.s32 s22, $0x1F;
	s18 =	sshrl.u32 s20, $0x1F;
	s20 =	sshrl.u32 s16, $0x1F  }
0x250: {  	s14 =	smulhi.u32 $0x14F8B589, s13;
	s0 =	sadd.s32 s0, s25;
	s25 =	sshra.s32 s3, $0xC;
	v9 =	vsel vm8, s4, v9;
	v7 =	vsel vm0, s18, v7;
	v55 =	vmov s20  }
0x251: {  	s13 =	sshra.s32 s23, $0xC;
	s23 =	sshrl.u32 s23, $0x1F;
	s3 =	sshrl.u32 s3, $0x1F;
	v5 =	vperm.xlane v5, v2;
	v10 =	vsel vm0, s25, v10;
	v53 =	vsel vm0, s8, v9  }
0x252: {  	s19 =	rddreg [dreg:$0x10];
	s1 =	sadd.s32 s28, s14;
	s14 =	sshra.s32 s16, $0xC;
	v7 =	vsel vm1, s23, v7;
	v4 =	vsel vm0, s2, v55;
	v9 =	vsel vm0, s3, v54  }
0x253: {  	s7 =	sshrl.u32 s21, $0x1F;
	s22 =	spop (v2sf);
	s4 =	sshra.s32 s19, $0x2;
	v57 =	vsel vm1, s6, v10;
	v8 =	vsel vm10, s11, v53;
	v11 =	vmov s14  }
0x254: {  	s31 =	sshrl.u32 s24, $0x1F;
	s30 =	sshra.s32 s22, $0x1F;
	s9 =	sshra.s32 s0, $0xC;
	v12 =	vld [tilespmem:s4+$0x190];
	v5 =	vsel vm15, v5, v6;
	v58 =	vsel vm2, s7, v7;
	v8 =	vsel vm1, s13, v8  }
0x255: {  	s5 =	smulhi.u32 $0x14F8B589, s22;
	s28 =	sshra.s32 s21, $0xC;
	s26 =	sshrl.u32 s1, $0x1F;
	v59 =	vsel vm2, s9, v57;
	v11 =	vsel vm0, s17, v11;
	v8 =	vsel vm11, s15, v8  }
0x256: {  	s8 =	sshra.s32 s21, $0x1F;
	s16 =	sld [smem:$0x7AB];
	s14 =	sshrl.u32 s10, $0x1F;
	v4 =	vsel vm1, s26, v4;
	v3 =	vadd.s32 v3, v5;
	v56 =	vsel vm2, s28, v8  }
0x257: {  	s4 =	smul.u32 $0x14F8B589, s30;
	s11 =	sshra.s32 s10, $0xC;
	s1 =	sshra.s32 s1, $0xC;
	v5 =	vsel vm5, s14, v58;
	v3 =	vmul.u32 $0xC350, v3;
	v6 =	vsel vm12, s8, v56  }
0x258: {  	v61 =	vld [tilespmem:$0x1FFF0];
	s19 =	sshra.s32 s24, $0xC;
	s13 =	sshrl.u32 s29, $0x1F;
	v4 =	vsel vm2, s31, v4;
	v60 =	vsel vm1, s1, v11;
	s15 =	sshra.s32 s10, $0x1F;
	v6 =	vsel vm5, s11, v6  }
0x259: {  	s4 =	sadd.s32 s4, s5;
	v9 =	vsel vm1, s13, v9;
	s17 =	sshrl.u32 s16, $0x1F;
	s18 =	sshra.s32 s16, $0xC;
	v3 =	vadd.s32 v12, v3;
	v6 =	vsel vm13, s15, v6  }
0x25a: {  	s0 =	sshrl.u32 s0, $0x1F;
	s20 =	sshra.s32 s16, $0x1F;
	s21 =	sshrl.u32 s4, $0x1F;
	v8 =	vsel vm2, s19, v60;
	v5 =	vsel vm6, s17, v5;
	v6 =	vsel vm6, s18, v6  }
0x25b: {  	s30 =	rddreg [dreg:$0x9];
	s22 =	sshra.s32 s4, $0xC;
	v9 =	vsel vm2, s0, v9;
	v5 =	vsel vm7, s21, v5;
	v6 =	vsel vm14, s20, v6  }
0x25c: {  	s23 =	sshrl.u32 s12, $0x1F;
	s26 =	rddreg [dreg:$0x5];
	s24 =	sshra.s32 s4, $0x1F;
	v7 =	vcombine.low v8, v59;
	v4 =	vcombine.low v4, v9;
	v6 =	vsel vm7, s22, v6  }
0x25d: {  	s25 =	sshra.s32 s12, $0xC;
	vm8 =	vnez.u8 v61;
	s29 =	rddreg [dreg:$0x3];
	s28 =	simm.s32 $0x0;
	v5 =	vsel vm9, s23, v5;
	v6 =	vsel vm3, s24, v6  }
0x25e: {  	v62 =	vperm.xlane v7, v1;
	v4 =	vperm.xlane v4, v1;
	[tilespmem:s26], [sflag:$0x4] =	stream.indirect_vreg.gather [hbm4b:s29+s28], $0x80, v3, vm8, $0xb8;
	v3 =	vsel vm9, s25, v6;
	[tilespmem:$0x19320] =	vst v63  }
0x25f: {  	s0 =	sshra.s32 s30, $0x2;
	v5 =	vperm.xlane v5, v2;
	v3 =	vperm.xlane v3, v2  }
0x260: {  	v63 =	vld [tilespmem:s0+$0x190]  }
0x261: {  	v4 =	vsel vm15, v5, v4;
	v3 =	vsel vm15, v3, v62  }
0x262: {  	v3 =	vadd.s32 v4, v3  }
0x263: {  	v3 =	vmul.u32 $0xC350, v3;
	_ =	sdelay $0x1  }
0x264: {  	v3 =	vadd.s32 v63, v3  }
.Ltmp8:
0x265: {  	s12 =	sld [smem:$0x7F9];
	(pc) =	sbr.rel .LBB2_10-.Ltmp8, $4  }
0x266: {  	s7 =	sld [smem:$0x7FA]  }
0x267: {  	s5 =	sld [smem:$0x7F8]  }
0x268: {  	s6 =	simm.s32 $0x0;
	s31 =	rddreg [dreg:$0x7]  }
0x269: {  	[tilespmem:s31], [sflag:$0x4] =	stream.indirect_vreg.gather [hbm4b:s29+s28], $0x80, v3, vm8, $0xb8;
	[tilespmem:$0x19320] =	vst v63  }
.LBB2_12:
0x26a: {  	_ =	sfence.sel $0x180000  }
0x26b: {  	[bflag:$0x0] =	sbarrier.arrive $0xFFFF  }
0x26c: {  	_ =	strace $0x90000047  }
0x26d: {  	s0 =	stileid.u32;
	[bflag:$0x2] =	sbarrier.arrive $0xFFFF  }
0x26e: {  	p0 =	sne.s32 s0, $0x0;
	s0 =	rddreg [dreg:$0x2]  }
0x26f: {  	s0 =	sadd.s32 @!p0 $0x100000, s0  }
0x270: {  	[sflag:s0] =	ssyncadd.tile.s32 @!p0 $0x1;
	_ =	shalt  }
.Lfunc_end2:
_tile_overlayer_lowered:
.L_overlay_start_2:
0x271: {  	(tag) =	ssettag $0x2  }
0x272: {  	s0 =	rddreg [dreg:$0x0];
	s2 =	stileid.u32  }
0x273: {  	s1 =	rddreg [dreg:$0x1];
	p0 =	sne.s32 s2, $0x0  }
0x274: {  	s3 =	rddreg [dreg:$0x2];
	[bflag:$0x3] =	sbarrier.arrive $0xFFFF;
	s2 =	simm.s32 @!p0 $0x1C07  }
0x275: {  	[timem:s3], [sflag:s2] =	dma.local @!p0 [hbm:s0], s1  }
0x276: {  	s0 =	simm.s32 @!p0 $0x7  }
0x277: {  	_ =	swait.ge @!p0 [sflag:s0], s1  }
0x278: {  	s1 =	ssub.s32 @!p0 $0x0, s1;
	[sflag:s0] =	ssyncset.done @!p0 $0x0  }
0x279: {  	[sflag:s0] =	ssyncadd.s32 @!p0 s1  }
0x27a: {  	[bflag:$0x3] =	sbarrier.arrive $0xFFFF  }
0x27b: {  	_ =	shalt  }

// kernel: sparse-core-data-format-call.cloned.1.call-start
scs
called_computation_lowered:
.L_overlay_start_0:
0x0: {  	s2 =	sld [smem:$0x3FD9]  }
0x1: {  	s3 =	sld [smem:$0x3FFE];
	_ =	sdelay $0x1  }
0x2: {  	s1 =	srdreg.scid  }
0x3: {  	s0 =	sand.u32 $0x1, s1  }
0x4: {  	s15 =	sshll.u32 s0, $0xA;
	s2 =	sadd.s32 s3, s2  }
0x5: {  	s2 =	sadd.s32 s2, s15  }
0x6: {  	[smem:$0x3FC5] =	sst s2  }
0x7: {  	_ = 	snop  }
0x8: {  	s2 =	sld [smem:$0x3FD0];
	_ =	sdelay $0x2  }
0x9: {  	s16 =	simm.s32 $0xA;
	s4 =	simm.s32 $0x10  }
0xa: {  	[smem:s4], [sflag:s16] =	dma.local [hbm:s2], $0x1  }
0xb: {  	_ =	swait.eq [sflag:s16], $0x1  }
0xc: {  	[sflag:s16] =	ssyncset.done $0x0  }
0xd: {  	[sflag:s16] =	ssyncadd.s32 $0xFFFFFFFF  }
0xe: {  	s17 =	sld [smem:$0x11];
	(tm) =	ssettm $0x1  }
0xf: {  	s18 =	sld [smem:$0x3FFB];
	_ =	sdelay $0x3  }
0x10: {  	_ =	strace s18  }
0x11: {  	s3 =	sld [smem:$0x3FFC];
	_ =	sdelay $0x3  }
0x12: {  	_ =	strace s3  }
0x13: {  	s3 =	sld [smem:$0x3FFD];
	_ =	sdelay $0x3  }
0x14: {  	_ =	strace s3  }
0x15: {  	_ =	strace $0x8FFFFFFF  }
0x16: {  	s19 =	sld [smem:$0x3FDB];
	_ =	sdelay $0x1  }
0x17: {  	s20 =	simm.s32 $_scs_section_size  }
0x18: {  	s5 =	simm.s32 $_size__tile_overlayer_lowered;
	s6 =	simm.s32 $_tile_overlayer_lowered  }
0x19: {  	s23 =	simm.s32 $0x1BFF;
	s22 =	sshll.u32 s6, $0x1;
	s3 =	sadd.s32 s20, s19  }
0x1a: {  	s7 =	simm.s32 $0x0;
	s21 =	sshll.u32 s5, $0x1;
	s5 =	sadd.s32 s22, s3  }
0x1b: {  	[timem:s7], [sflag:s23] =	dma.local [hbm:s5], s21  }
0x1c: {  	_ =	swait.ge [sflag:s23], s21  }
0x1d: {  	s4 =	ssub.s32 $0x0, s21;
	[sflag:s23] =	ssyncset.done $0x0  }
0x1e: {  	[sflag:s23] =	ssyncadd.s32 s4;
	_ =	sdelay $0x1  }
0x1f: {  	s24 =	simm.s32 $0x1B8B  }
0x20: {  	_ =	swait.ge [sflag:s24], $0x1  }
0x21: {  	[sflag:s24] =	ssyncset.done $0x0  }
0x22: {  	s26 =	simm.s32 $0x1B8E;
	s25 =	sld [smem:$0x3FFE];
	[sflag:s24] =	ssyncadd.s32 $0xFFFFFFFF  }
0x23: {  	s27 =	simm.s32 $execute0_lowered;
	[smem:$0x3FD2] =	sst s26  }
0x24: {  	s5 =	sshll.u32 s27, $0x1;
	_ =	strace $0x80000049;
	[dreg:$0x1] =	wrdreg $0xFFFFFFFF  }
0x25: {  	s28 =	simm.s32 $_size_execute0_lowered;
	s3 =	sadd.s32 s3, s5;
	[dreg:$0x0] =	wrdreg $0x0  }
0x26: {  	s5 =	sshll.u32 s28, $0x1;
	[dreg:$0x2] =	wrdreg s3  }
0x27: {  	[dreg:$0x3] =	wrdreg s5  }
0x28: {  	[dreg:$0x4] =	wrdreg $0xC0  }
0x29: {  	_ =	task [dreg:s7], $0x5FFFF  }
0x2a: {  	[dreg:$0x1] =	wrdreg $0xFFFFFFFF  }
0x2b: {  	[dreg:$0x0] =	wrdreg $0x60  }
0x2c: {  	[dreg:$0x2] =	wrdreg s25  }
0x2d: {  	[dreg:$0x3] =	wrdreg s17  }
0x2e: {  	[dreg:$0x4] =	wrdreg $0x9  }
0x2f: {  	_ =	task.clear_ibuf [dreg:s7], $0x5FFFF;
	_ =	strace $0x90000049  }
0x30: {  	s29 =	simm.s32 $0x9;
	_ =	strace $0x8000004B  }
0x31: {  	_ =	swait.ge [sflag:s29], $0x1  }
0x32: {  	[sflag:s29] =	ssyncadd.s32 $0xFFFFFFFF  }
0x33: {  	_ =	strace $0x9000004B  }
0x34: {  	_ =	sfence  }
0x35: {  	s30 =	sld [smem:$0x0];
	_ =	sdelay $0x2  }
0x36: {  	s31 =	sshll.u32 s1, $0xD;
	s1 =	sshrl.u32 s1, $0x2  }
0x37: {  	s3 =	sand.u32 $0x4000, s31;
	s1 =	sadd.s32 s1, s30  }
0x38: {  	s0 =	sor.u32 s3, s0;
	s1 =	sshll.u32 s1, $0x11  }
0x39: {  	s0 =	sor.u32 s1, s0  }
0x3a: {  	s0 =	sadd.s32 $0x8F2B, s0  }
0x3b: {  	[sflag:s0] =	ssyncadd.remote.s32 $0x1  }
0x3c: {  	_ =	sfence.sel $0xFFFF  }
0x3d: {  	[dreg:$0x0] =	wrdreg $0xFFFFFFFF;
	(pc) =	sbr.abs _section_cstart, $3  }
0x3e: {  	[dreg:$0x1] =	wrdreg $0xFFFFFFFF  }
0x3f: {  	_ =	task.clear_ibuf [dreg:s7], $0x2FFFF;
	_ =	strace $0x9FFFFFFF  }
0x40: {  	(tm) =	ssettm $0x7FFFFFFF  }
0x41: {  	_ =	shalt  }
tec
execute0_lowered:
.L_overlay_start_1:
0x0: {  	(tag) =	ssettag $0x1  }
0x1: {  	s3 =	rddreg [dreg:$0x0]  }
0x2: {  	s2 =	rddreg [dreg:$0x1];
	s1 =	stileid.u32  }
0x3: {  	s4 =	srdreg.scid;
	s0 =	rddreg [dreg:$0x2];
	_ =	strace $0x8000004A  }
0x4: {  	s7 =	simm.s32 $0x2;
	s14 =	simm.s32 $0x0;
	p0 =	por $0x0, $0x0  }
0x5: {  	s9 =	simm.s32 $0x61C00;
	s5 =	sshll.u32 s1, $0x4;
	s4 =	sshll.u32 s4, $0x8  }
.Ltmp0:
0x6: {  	s13 =	simm.s32 $0x0;
	s4 =	sor.u32 s5, s4;
	(pc) =	sbr.rel .LBB1_1-.Ltmp0, $4  }
0x7: {  	s12 =	simm.s32 $0x0;
	s5 =	simm.s32 $0x1;
	s4 =	sand.u32 $0x180, s4  }
0x8: {  	s3 =	sadd.s32 $0x1200, s3;
	[sflag:s5] =	ssyncpa.u1 $0x0;
	s8 =	ssub.s32 $0xC300, s4  }
0x9: {  	s6 =	sand.u32 $0x7, s1;
	[sflag:s7] =	ssyncpa.u1 $0x0;
	s7 =	sshrl.u32 s8, $0x9  }
0xa: {  	s11 =	smov.u32 s6;
	s10 =	smov.u32 s4;
	s8 =	sor.u32 $0x2, s7  }
.LBB1_5:
0xb: {  	s15 =	sadd.s32 $0x200, s10  }
0xc: {  	s13 =	sadd.s32 $0x8, s11;
	s17 =	smov.u32 s11;
	p2 =	sgt.s32 s15, $0xC34F  }
0xd: {  	s17 =	smov.u32 @p2 s13  }
0xe: {  	s15 =	smov.u32 @p2 s4;
	p2 =	sgt.s32 s17, $0x7  }
0xf: {  	s17 =	smov.u32 @p2 s6;
	p2 =	sne.s32 s12, s8  }
.Ltmp1:
0x10: {  	p1 =	slt.u32 s12, $0x2;
	(pc) =	sbr.rel @!p2 .LBB1_6-.Ltmp1, $4  }
0x11: {  	s16 =	simm.s32 @!p1 $0x2  }
0x12: {  	s14 =	smov.u32 s10;
	p0 =	por !p0, !p0;
	_ =	swait.ge @!p1 [sflag:s16], $0x2000  }
0x13: {  	s13 =	smov.u32 s11;
	[sflag:s16] =	ssyncset.done @!p1 $0x0;
	s10 =	smov.u32 s15  }
0x14: {  	s12 =	sadd.s32 $0x1, s12;
	[sflag:s16] =	ssyncadd.s32 @!p1 $0xFFFFE000;
	s11 =	smov.u32 s17  }
.LBB1_1:
0x15: {  	p1 =	sgt.u32 s12, s7  }
0x16: {  	s17 =	smov.u32 s11;
	s19 =	smov.u32 s10;
	p2 =	sgt.s32 @!p1 s11, $0x7  }
0x17: {  	s15 =	sand.u32 @!p1 $0x1FFFFFF, s10;
	s18 =	sshra.s32 @!p1 s11, $0x1F;
	p2 =	por !p2, p1  }
0x18: {  	s20 =	sshra.s32 @!p1 s10, $0x1F;
	s17 =	simm.s32 @p2 $0x7;
	p2 =	sgt.s32 @!p1 s10, $0xC2D0  }
0x19: {  	s16 =	smulhi.u32 @!p1 $0x14F8B59, s15;
	s18 =	sand.u32 @!p1 s18, s11;
	p2 =	por !p2, p1  }
0x1a: {  	s17 =	ssub.s32 @!p1 s17, s18;
	s18 =	sand.u32 @!p1 s20, s10;
	s19 =	simm.s32 @p2 $0xC2D0  }
0x1b: {  	s17 =	sadd.s32 @!p1 $0xFFFFFFF9, s17;
	s18 =	ssub.s32 @!p1 s19, s18  }
0x1c: {  	s16 =	sshrl.u32 @!p1 s16, $0x8;
	p2 =	sgt.s32 @!p1 s17, $0x0;
	s19 =	sadd.s32 @!p1 $0xFFFF3D30, s18  }
0x1d: {  	s17 =	sshll.u32 @!p1 s17, $0x6;
	s18 =	ssub.s32 @!p1 $0xC350, s18;
	p3 =	sgt.s32 @!p1 s19, $0x7F  }
0x1e: {  	s17 =	ssub.s32 @!p1 $0x40, s17;
	p2 =	por !p2, p1;
	p3 =	por !p3, p1  }
0x1f: {  	s16 =	smul.u32 @!p1 $0xC350, s16;
	s17 =	simm.s32 @!p2 $0x0;
	s18 =	simm.s32 @!p3 $0x0  }
0x20: {  	s19 =	sxor.u32 @!p1 $0xFFFFFFFF, s12;
	s17 =	smul.u32 @!p1 s18, s17  }
0x21: {  	s15 =	ssub.s32 @!p1 s15, s16;
	s18 =	sshll.u32 @!p1 s19, $0xD;
	s19 =	smul.u32 @!p1 $0xC3500, s11  }
0x22: {  	s15 =	sshll.u32 @!p1 s15, $0x4  }
0x23: {  	s18 =	sand.u32 @!p1 $0x2000, s18;
	s16 =	sand.u32 @!p1 $0x3FFFFFC0, s17;
	s17 =	sadd.s32 @!p1 s3, s19  }
0x24: {  	s19 =	simm.s32 @!p1 $0x80;
	s15 =	sadd.s32 @!p1 s15, s17;
	s17 =	simm.s32 @!p1 $0x40  }
0x25: {  	[tilespmem:s18], [sflag:$0x1] =	stream.strided.gather @!p1 [hbm4b:s15+s17], s16, s19, s17, $0x38;
	[tilespmem:$0x8080] =	vst v63  }
0x26: {  	p1 =	seq.s32 s12, $0x0  }
0x27: {  	p2 =	sge.u32 @!p1 s12, s8  }
0x28: {  	p1 =	por p1, p2  }
.Ltmp2:
0x29: {  	_ = 	snop;
	(pc) =	sbr.rel @p1 .LBB1_5-.Ltmp2, $1  }
0x2a: {  	_ =	sdelay $0x3  }
0x2b: {  	p1 =	sgt.s32 s13, $0x7;
	s15 =	smov.u32 s13  }
0x2c: {  	s16 =	sshra.s32 s13, $0x1F;
	s17 =	smov.u32 s14;
	s18 =	sshra.s32 s14, $0x1F  }
0x2d: {  	s15 =	simm.s32 @!p1 $0x7;
	s16 =	sand.u32 s16, s13;
	p1 =	sgt.s32 s14, $0xC2D0  }
0x2e: {  	s27 =	sand.u32 s18, s14;
	s15 =	ssub.s32 s15, s16;
	s17 =	simm.s32 @!p1 $0xC2D0  }
0x2f: {  	s15 =	sadd.s32 $0xFFFFFFF9, s15;
	s16 =	ssub.s32 s17, s27  }
0x30: {  	p1 =	sgt.s32 s15, $0x0;
	s17 =	sadd.s32 $0xFFFF3D30, s16;
	s15 =	sshll.u32 s15, $0x6  }
0x31: {  	s16 =	ssub.s32 $0xC350, s16;
	p2 =	sgt.s32 s17, $0x7F;
	s15 =	ssub.s32 $0x40, s15  }
0x32: {  	s16 =	simm.s32 @p2 $0x0;
	s15 =	simm.s32 @p1 $0x0  }
0x33: {  	s15 =	smul.u32 s16, s15;
	_ =	sdelay $0x1  }
0x34: {  	s16 =	simm.s32 $0x1;
	s15 =	sand.u32 $0x3FFFFFC0, s15  }
0x35: {  	s16 =	simm.s32 @!p0 $0x0;
	_ =	swait.ge [sflag:s5], s15  }
0x36: {  	s28 =	sshll.u32 s16, $0xD;
	s15 =	ssub.s32 $0x0, s15;
	[sflag:s5] =	ssyncset.done $0x0  }
0x37: {  	s19 =	sor.u32 $0x20, s28;
	[sflag:s5] =	ssyncadd.s32 s15  }
0x38: {  	s29 =	smul.u32 $0x8100, s16;
	v3 =	vld [tilespmem:s19+$0x10]  }
0x39: {  	s30 =	sand.u32 $0x1, s12;
	v2 =	vld [tilespmem:s19+$0xFFFFFFF0]  }
0x3a: {  	s16 =	smul.u32 $0x8100, s30;
	s15 =	sshrl.u32 s29, $0x2;
	v0 =	vld [tilespmem:s19+$0x0]  }
0x3b: {  	s17 =	sor.u32 $0x4000, s15;
	v1 =	vld [tilespmem:s19+$0xFFFFFFE0]  }
0x3c: {  	s31 =	sshrl.u32 s16, $0x2;
	s16 =	sadd.s32 $0x0, s17  }
0x3d: {  	s18 =	simm.s32 $0x4;
	s15 =	sor.u32 $0x4000, s31;
	s19 =	sadd.s32 $0x40, s19;
	[tilespmem:s16+$0x1830 ss:$0x81] =	vst.msk $0xffff, v3  }
.LBB1_3:
0x3e: {  	v3 =	vld [tilespmem:s19+$0x10];
	p1 =	sne.s32 s18, $0x1FC;
	[tilespmem:s16+$0x810 ss:$0x81] =	vst.msk $0xffff, v2;
	s20 =	smov.u32 s18;
	s18 =	sadd.s32 $0x4, s18  }
.Ltmp3:
0x3f: {  	v2 =	vld [tilespmem:s19+$0xFFFFFFF0];
	[tilespmem:s16+$0x1020 ss:$0x81] =	vst.msk $0xffff, v0;
	(pc) =	sbr.rel @p1 .LBB1_3-.Ltmp3, $4  }
0x40: {  	v0 =	vld [tilespmem:s19+$0x0];
	[tilespmem:s16+$0x0 ss:$0x81] =	vst.msk $0xffff, v1  }
0x41: {  	s16 =	sshra.s32 s20, $0x2;
	v1 =	vld [tilespmem:s19+$0xFFFFFFE0]  }
0x42: {  	s16 =	sadd.s32 s16, s17  }
0x43: {  	s19 =	sadd.s32 $0x40, s19;
	[tilespmem:s16+$0x1830 ss:$0x81] =	vst.msk $0xffff, v3  }
0x44: {  	s17 =	sshll.u32 s14, $0x3  }
0x45: {  	s29 =	sand.u32 $0x7F, s14;
	s17 =	sand.u32 $0xFFFFFC00, s17  }
0x46: {  	s14 =	sor.u32 s29, s17;
	s17 =	smulhi.u32 $0xA79C7B17, s17  }
0x47: {  	s18 =	smulhi.u32 $0xA79C7B17, s14;
	_ =	sdelay $0x1  }
0x48: {  	s13 =	smul.u32 $0x61C00, s13;
	s17 =	sshrl.u32 s17, $0xF;
	s18 =	sshrl.u32 s18, $0xF  }
0x49: {  	s17 =	sand.u32 $0x3F, s17;
	s18 =	smul.u32 $0xC380, s18  }
0x4a: {  	s17 =	smul.u32 $0x1870, s17  }
.Ltmp4:
0x4b: {  	s14 =	ssub.s32 s14, s18;
	(pc) =	sbr.rel .LBB1_5-.Ltmp4, $4  }
0x4c: {  	[tilespmem:s16+$0x810 ss:$0x81] =	vst.msk $0xffff, v2;
	s13 =	sadd.s32 s2, s13;
	s18 =	sand.u32 $0x7, s14  }
0x4d: {  	[tilespmem:s16+$0x1020 ss:$0x81] =	vst.msk $0xffff, v0;
	s13 =	sadd.s32 s17, s13;
	s14 =	sshrl.u32 s14, $0x3;
	s30 =	sshll.u32 s18, $0x12  }
0x4e: {  	[tilespmem:s16+$0x0 ss:$0x81] =	vst.msk $0xffff, v1;
	s13 =	sadd.s32 s14, s13;
	s31 =	sor.u32 $0x400, s30  }
0x4f: {  	[hbm4b:s13+s31] =	stream.strided.scatter [tilespmem:s15], [sflag:$0x2], $0x2000, s9, s31, $0x20;
	[tilespmem:$0x8080] =	vst v63  }
.LBB1_6:
0x50: {  	_ =	sfence.sel $0x180000  }
0x51: {  	s2 =	simm.s32 $0x1;
	[bflag:$0x0] =	sbarrier.arrive $0xFFFF  }
0x52: {  	s31 =	simm.s32 $0x2;
	[sflag:s2] =	ssyncpa.u1 $0x1  }
0x53: {  	[sflag:s31] =	ssyncpa.u1 $0x1  }
0x54: {  	p0 =	sne.s32 s1, $0x0;
	_ =	strace $0x9000004A  }
0x55: {  	s0 =	sadd.s32 @!p0 $0x100000, s0;
	[bflag:$0x2] =	sbarrier.arrive $0xFFFF  }
0x56: {  	[sflag:s0] =	ssyncadd.tile.s32 @!p0 $0x1;
	_ =	shalt  }
.Lfunc_end1:
_tile_overlayer_lowered:
.L_overlay_start_2:
0x57: {  	(tag) =	ssettag $0x2  }
0x58: {  	s0 =	rddreg [dreg:$0x0];
	s2 =	stileid.u32  }
0x59: {  	s1 =	rddreg [dreg:$0x1];
	p0 =	sne.s32 s2, $0x0  }
0x5a: {  	s3 =	rddreg [dreg:$0x2];
	[bflag:$0x3] =	sbarrier.arrive $0xFFFF;
	s2 =	simm.s32 @!p0 $0x1C01  }
0x5b: {  	[timem:s3], [sflag:s2] =	dma.local @!p0 [hbm:s0], s1  }
0x5c: {  	s0 =	simm.s32 @!p0 $0x1  }
0x5d: {  	_ =	swait.ge @!p0 [sflag:s0], s1  }
0x5e: {  	s1 =	ssub.s32 @!p0 $0x0, s1;
	[sflag:s0] =	ssyncset.done @!p0 $0x0  }
0x5f: {  	[sflag:s0] =	ssyncadd.s32 @!p0 s1  }
0x60: {  	[bflag:$0x3] =	sbarrier.arrive $0xFFFF  }
0x61: {  	_ =	shalt  }

</sc_bundles>
